<compile_context>
chip_gen: v7x
topology: tpu7x:2x2x1
jax: 0.10.2.dev20260603
libtpu: 0.0.44.dev20260713+nightly
codegen_flags: <defaults>
</compile_context>

<pallas_src>
import functools

import numpy as np

import jax
import jax.numpy as jnp
from jax import lax
from jax.experimental import pallas as pl
from jax.experimental.pallas import tpu as pltpu
from jax.experimental.pallas import tpu_sc as plsc

_A = 9
_H = 50
_W = 76
_N = _H * _W * _A
_ROWS = 272
_NP = _ROWS * 128
_PRE_NMS = 6000
_POST_NMS = 300
_OUT_ROWS = 304
_NMS_T = 0.7
_FEAT_STRIDE = 16.0
_MIN_SIZE = 3.0
_IMIN = -2147483648

_NTILES = 32
_CHUNK = _NP // _NTILES
_NV = _CHUNK // 16

_ANCH = (
    (-84.0, -40.0, 99.0, 55.0),
    (-176.0, -88.0, 191.0, 103.0),
    (-360.0, -184.0, 375.0, 199.0),
    (-56.0, -56.0, 71.0, 71.0),
    (-120.0, -120.0, 135.0, 135.0),
    (-248.0, -248.0, 263.0, 263.0),
    (-36.0, -80.0, 51.0, 95.0),
    (-80.0, -168.0, 95.0, 183.0),
    (-168.0, -344.0, 183.0, 359.0),
)

def _anchor_grid():
    ii = np.arange(_NP)
    aa = ii % _A
    cell = ii // _A
    colf = (cell % _W).astype(np.float32) * _FEAT_STRIDE
    rowf = (cell // _W).astype(np.float32) * _FEAT_STRIDE
    anch = np.asarray(_ANCH, np.float32)[aa]
    return (anch[:, 0] + colf, anch[:, 1] + rowf,
            anch[:, 2] + colf, anch[:, 3] + rowf)

_AG = _anchor_grid()



def _sc_transform_body(sc_hbm, dx_hbm, dy_hbm, dw_hbm, dh_hbm,
                       a1_hbm, a2_hbm, a3_hbm, a4_hbm, im_hbm, out_hbm,
                       sc_v, dx_v, dy_v, dw_v, dh_v,
                       a1_v, a2_v, a3_v, a4_v, im_v,
                       x1_v, y1_v, x2_v, y2_v, ar_v, fk_v):
    wid = lax.axis_index("s") * 2 + lax.axis_index("c")
    base = wid * _CHUNK
    pltpu.sync_copy(sc_hbm.at[pl.ds(base, _CHUNK)], sc_v)
    pltpu.sync_copy(dx_hbm.at[pl.ds(base, _CHUNK)], dx_v)
    pltpu.sync_copy(dy_hbm.at[pl.ds(base, _CHUNK)], dy_v)
    pltpu.sync_copy(dw_hbm.at[pl.ds(base, _CHUNK)], dw_v)
    pltpu.sync_copy(dh_hbm.at[pl.ds(base, _CHUNK)], dh_v)
    pltpu.sync_copy(a1_hbm.at[pl.ds(base, _CHUNK)], a1_v)
    pltpu.sync_copy(a2_hbm.at[pl.ds(base, _CHUNK)], a2_v)
    pltpu.sync_copy(a3_hbm.at[pl.ds(base, _CHUNK)], a3_v)
    pltpu.sync_copy(a4_hbm.at[pl.ds(base, _CHUNK)], a4_v)
    pltpu.sync_copy(im_hbm, im_v)

    im_h = im_v[pl.ds(0, 16)]
    im_w = im_v[pl.ds(16, 16)]
    min_sz = im_v[pl.ds(32, 16)]
    lane = lax.iota(jnp.int32, 16)

    def step(j, _):
        off = j * 16
        idx = base + off + lane
        ax1 = a1_v[pl.ds(off, 16)]
        ay1 = a2_v[pl.ds(off, 16)]
        ax2 = a3_v[pl.ds(off, 16)]
        ay2 = a4_v[pl.ds(off, 16)]
        w = ax2 - ax1 + 1.0
        h = ay2 - ay1 + 1.0
        cx = ax1 + 0.5 * w
        cy = ay1 + 0.5 * h
        pcx = dx_v[pl.ds(off, 16)] * w + cx
        pcy = dy_v[pl.ds(off, 16)] * h + cy
        pw = jnp.exp(dw_v[pl.ds(off, 16)]) * w
        ph = jnp.exp(dh_v[pl.ds(off, 16)]) * h
        x1 = jnp.clip(pcx - 0.5 * pw, 0.0, im_w - 1.0)
        y1 = jnp.clip(pcy - 0.5 * ph, 0.0, im_h - 1.0)
        x2 = jnp.clip(pcx + 0.5 * pw, 0.0, im_w - 1.0)
        y2 = jnp.clip(pcy + 0.5 * ph, 0.0, im_h - 1.0)
        ws = x2 - x1 + 1.0
        hs = y2 - y1 + 1.0
        valid = (ws >= min_sz) & (hs >= min_sz) & (idx < _N)
        sbits = lax.bitcast_convert_type(sc_v[pl.ds(off, 16)], jnp.int32)
        fk = (jnp.where(valid, sbits + 1, 0) ^ _IMIN)
        x1_v[pl.ds(off, 16)] = x1
        y1_v[pl.ds(off, 16)] = y1
        x2_v[pl.ds(off, 16)] = x2
        y2_v[pl.ds(off, 16)] = y2
        ar_v[pl.ds(off, 16)] = ws * hs
        fk_v[pl.ds(off, 16)] = lax.bitcast_convert_type(fk, jnp.float32)
        return 0

    lax.fori_loop(0, _NV, step, 0)
    pltpu.sync_copy(x1_v, out_hbm.at[pl.ds(0 * _NP + base, _CHUNK)])
    pltpu.sync_copy(y1_v, out_hbm.at[pl.ds(1 * _NP + base, _CHUNK)])
    pltpu.sync_copy(x2_v, out_hbm.at[pl.ds(2 * _NP + base, _CHUNK)])
    pltpu.sync_copy(y2_v, out_hbm.at[pl.ds(3 * _NP + base, _CHUNK)])
    pltpu.sync_copy(ar_v, out_hbm.at[pl.ds(4 * _NP + base, _CHUNK)])
    pltpu.sync_copy(fk_v, out_hbm.at[pl.ds(5 * _NP + base, _CHUNK)])


_sc_transform = functools.partial(
    pl.kernel,
    mesh=plsc.VectorSubcoreMesh(core_axis_name="c", subcore_axis_name="s"),
    out_type=jax.ShapeDtypeStruct((6 * _NP,), jnp.float32),
    scratch_types=[pltpu.VMEM((_CHUNK,), jnp.float32)] * 9
    + [pltpu.VMEM((48,), jnp.float32)]
    + [pltpu.VMEM((_CHUNK,), jnp.float32)] * 6,
)(_sc_transform_body)



def _tc_body(d_r, out_ref, sl_r):
    x1_r = d_r.at[0]
    y1_r = d_r.at[1]
    x2_r = d_r.at[2]
    y2_r = d_r.at[3]
    ar_r = d_r.at[4]
    i2 = (lax.broadcasted_iota(jnp.int32, (_ROWS, 128), 0) * 128
          + lax.broadcasted_iota(jnp.int32, (_ROWS, 128), 1))
    imin = jnp.int32(_IMIN)
    fkey = d_r[5].view(jnp.int32)

    def bs_bit(b, cu):
        cand = cu | lax.shift_left(jnp.int32(1), 31 - b)
        cnt = jnp.sum((fkey >= (cand ^ imin)).astype(jnp.int32))
        return jnp.where(cnt >= _PRE_NMS, cand, cu)

    t_bits = lax.fori_loop(0, 32, bs_bit, jnp.int32(0))
    ft = t_bits ^ imin
    slots = _PRE_NMS - jnp.sum((fkey > ft).astype(jnp.int32))
    eqm = (fkey == ft).astype(jnp.int32)

    def bs_idx(b, c):
        cand = c | lax.shift_left(jnp.int32(1), 16 - b)
        cnt = jnp.sum(jnp.where(i2 < cand, eqm, 0))
        return jnp.where(cnt <= slots, cand, c)

    c = lax.fori_loop(1, 17, bs_idx, jnp.int32(0))
    elig = (fkey > ft) | ((t_bits != 0) & (fkey == ft) & (i2 < c))
    sl_r[...] = jnp.where(elig, fkey, imin)

    lane = lax.broadcasted_iota(jnp.int32, (1, 128), 1)
    zero = jnp.float32(0.0)

    def extract(ref, pick):
        pr = pick // 128
        lm = lane == lax.rem(pick, 128)
        return jnp.sum(jnp.where(lm, ref[pl.ds(pr, 1), :], zero))

    def mkrow(a, b, cc, dd):
        row = jnp.zeros((1, 128), jnp.float32)
        row = jnp.where(lane == 1, a, row)
        row = jnp.where(lane == 2, b, row)
        row = jnp.where(lane == 3, cc, row)
        return jnp.where(lane == 4, dd, row)

    def nms_cond(st):
        k, m = st
        return (k < _POST_NMS) & (m > imin)

    def nms_step(st):
        k, m = st
        sl = sl_r[...]
        pick1 = jnp.min(jnp.where(sl == m, i2, _NP))
        px1 = extract(x1_r, pick1)
        py1 = extract(y1_r, pick1)
        px2 = extract(x2_r, pick1)
        py2 = extract(y2_r, pick1)
        pa = extract(ar_r, pick1)
        sl2 = jnp.where(i2 == pick1, imin, sl)
        m2 = jnp.max(sl2)
        found2 = m2 > imin
        pick2 = jnp.min(jnp.where(sl2 == m2, i2, _NP))
        pick2 = jnp.where(pick2 == _NP, 0, pick2)
        qx1 = extract(x1_r, pick2)
        qy1 = extract(y1_r, pick2)
        qx2 = extract(x2_r, pick2)
        qy2 = extract(y2_r, pick2)
        qa = extract(ar_r, pick2)
        w12 = jnp.maximum(0.0, jnp.minimum(px2, qx2)
                          - jnp.maximum(px1, qx1) + 1.0)
        h12 = jnp.maximum(0.0, jnp.minimum(py2, qy2)
                          - jnp.maximum(py1, qy1) + 1.0)
        i12 = w12 * h12
        o12 = i12 / (pa + qa - i12)
        both = found2 & jnp.logical_not(o12 > _NMS_T)
        ww1 = jnp.maximum(0.0, jnp.minimum(px2, x2_r[...])
                          - jnp.maximum(px1, x1_r[...]) + 1.0)
        hh1 = jnp.maximum(0.0, jnp.minimum(py2, y2_r[...])
                          - jnp.maximum(py1, y1_r[...]) + 1.0)
        in1 = ww1 * hh1
        ov1 = in1 / (pa + ar_r[...] - in1)
        ww2 = jnp.maximum(0.0, jnp.minimum(qx2, x2_r[...])
                          - jnp.maximum(qx1, x1_r[...]) + 1.0)
        hh2 = jnp.maximum(0.0, jnp.minimum(qy2, y2_r[...])
                          - jnp.maximum(qy1, y1_r[...]) + 1.0)
        in2 = ww2 * hh2
        ov2 = in2 / (qa + ar_r[...] - in2)
        kill = (ov1 > _NMS_T) | (both & (ov2 > _NMS_T))
        nsl = jnp.where(kill, imin, sl)
        sl_r[...] = nsl
        out_ref[pl.ds(k, 1), :] = mkrow(px1, py1, px2, py2)
        prev = out_ref[pl.ds(k + 1, 1), :]
        out_ref[pl.ds(k + 1, 1), :] = jnp.where(
            both, mkrow(qx1, qy1, qx2, qy2), prev)
        return (k + 1 + both.astype(jnp.int32), jnp.max(nsl))

    m0 = jnp.max(sl_r[...])
    kf, _ = lax.while_loop(nms_cond, nms_step, (jnp.int32(0), m0))

    e0 = mkrow(jnp.sum(jnp.where(lane == 0, x1_r[0:1, :], zero)),
               jnp.sum(jnp.where(lane == 0, y1_r[0:1, :], zero)),
               jnp.sum(jnp.where(lane == 0, x2_r[0:1, :], zero)),
               jnp.sum(jnp.where(lane == 0, y2_r[0:1, :], zero)))
    fill = jnp.where(kf == 0, e0, out_ref[0:1, :])

    def fill_step(q, _):
        out_ref[pl.ds(q, 1), :] = fill
        return 0

    lax.fori_loop(kf, _POST_NMS, fill_step, 0)


@jax.jit
def kernel(rpn_cls_prob_reshape, rpn_bbox_pred, im_info):
    scores = jnp.transpose(rpn_cls_prob_reshape[:, _A:], (0, 2, 3, 1)).reshape(-1)
    d = jnp.transpose(rpn_bbox_pred, (0, 2, 3, 1)).reshape(-1, 4)
    pad = _NP - _N

    def p1(v):
        return jnp.pad(v, (0, pad))

    imrow = jnp.concatenate([
        jnp.full((16,), im_info[0, 0], jnp.float32),
        jnp.full((16,), im_info[0, 1], jnp.float32),
        jnp.full((16,), _MIN_SIZE * im_info[0, 2], jnp.float32),
    ])
    res = _sc_transform(
        p1(scores), p1(d[:, 0]), p1(d[:, 1]), p1(d[:, 2]), p1(d[:, 3]),
        jnp.asarray(_AG[0]), jnp.asarray(_AG[1]),
        jnp.asarray(_AG[2]), jnp.asarray(_AG[3]), imrow)

    out = pl.pallas_call(
        _tc_body,
        out_shape=jax.ShapeDtypeStruct((_OUT_ROWS, 128), jnp.float32),
        in_specs=[pl.BlockSpec(memory_space=pltpu.VMEM)],
        out_specs=pl.BlockSpec(memory_space=pltpu.VMEM),
        scratch_shapes=[pltpu.VMEM((_ROWS, 128), jnp.int32)],
    )(res.reshape(6, _ROWS, 128))
    return out[:_POST_NMS, :5]

# --- scband reference (transcript-rebuilt; emitter-appended) ---
"""Pipeline reference for scband-faster-rcnn-network-18270790877598 (READ-ONLY COPY).

The authoritative reference and input builder live on the scoring server;
editing this copy changes nothing except your own understanding.
"""

import jax, jax.numpy as jnp
import numpy as np

_ANCHORS = jnp.array([[-84.,-40.,99.,55.],[-176.,-88.,191.,103.],[-360.,-184.,375.,199.],[-56.,-56.,71.,71.],[-120.,-120.,135.,135.],[-248.,-248.,263.,263.],[-36.,-80.,51.,95.],[-80.,-168.,95.,183.],[-168.,-344.,183.,359.]], dtype=jnp.float32)
_FEAT_STRIDE = 16
_PRE_NMS = 6000
_POST_NMS = 300
_NMS_THRESH = 0.7
_MIN_SIZE = 3.0


def _bbox_transform_inv(boxes, deltas):
    widths = boxes[:, 2] - boxes[:, 0] + 1.0
    heights = boxes[:, 3] - boxes[:, 1] + 1.0
    ctr_x = boxes[:, 0] + 0.5 * widths
    ctr_y = boxes[:, 1] + 0.5 * heights
    dx, dy, dw, dh = deltas[:, 0], deltas[:, 1], deltas[:, 2], deltas[:, 3]
    pred_ctr_x = dx * widths + ctr_x
    pred_ctr_y = dy * heights + ctr_y
    pred_w = jnp.exp(dw) * widths
    pred_h = jnp.exp(dh) * heights
    return jnp.stack([pred_ctr_x - 0.5 * pred_w, pred_ctr_y - 0.5 * pred_h, pred_ctr_x + 0.5 * pred_w, pred_ctr_y + 0.5 * pred_h], axis=1)


def _clip_boxes(boxes, im_h, im_w):
    x1 = jnp.clip(boxes[:, 0], 0.0, im_w - 1.0)
    y1 = jnp.clip(boxes[:, 1], 0.0, im_h - 1.0)
    x2 = jnp.clip(boxes[:, 2], 0.0, im_w - 1.0)
    y2 = jnp.clip(boxes[:, 3], 0.0, im_h - 1.0)
    return jnp.stack([x1, y1, x2, y2], axis=1)


def _nms_keep(boxes, valid, thresh):
    boxes = jax.lax.stop_gradient(boxes)
    x1, y1, x2, y2 = boxes[:, 0], boxes[:, 1], boxes[:, 2], boxes[:, 3]
    areas = (x2 - x1 + 1.0) * (y2 - y1 + 1.0)
    n = boxes.shape[0]
    idxs = jnp.arange(n)

    def step(keep, i):
        xx1 = jnp.maximum(x1[i], x1)
        yy1 = jnp.maximum(y1[i], y1)
        xx2 = jnp.minimum(x2[i], x2)
        yy2 = jnp.minimum(y2[i], y2)
        w = jnp.maximum(0.0, xx2 - xx1 + 1.0)
        h = jnp.maximum(0.0, yy2 - yy1 + 1.0)
        inter = w * h
        ovr = inter / (areas[i] + areas - inter)
        suppressed = jnp.any((ovr > thresh) & keep & (idxs < i))
        keep = keep.at[i].set(valid[i] & (~suppressed))
        return keep, None

    keep, _ = jax.lax.scan(step, jnp.zeros(n, dtype=bool), idxs)
    return keep


def setup_inputs(seed: int = 0) -> dict:
    key = jax.random.key(seed)
    k1, k2 = jax.random.split(key)
    rpn_cls_prob_reshape = jax.random.uniform(k1, (1, 18, 50, 76), dtype=jnp.float32)
    rpn_bbox_pred = jax.random.normal(k2, (1, 36, 50, 76), dtype=jnp.float32) * 0.1
    im_info = jnp.array([[800.0, 1216.0, 1.6]], dtype=jnp.float32)
    return {"rpn_cls_prob_reshape": rpn_cls_prob_reshape, "rpn_bbox_pred": rpn_bbox_pred, "im_info": im_info}


def reference(rpn_cls_prob_reshape, rpn_bbox_pred, im_info):
    A = _ANCHORS.shape[0]
    scores4 = rpn_cls_prob_reshape[:, A:, :, :]
    height, width = scores4.shape[-2], scores4.shape[-1]
    shift_x = jnp.arange(width, dtype=jnp.float32) * _FEAT_STRIDE
    shift_y = jnp.arange(height, dtype=jnp.float32) * _FEAT_STRIDE
    sx, sy = jnp.meshgrid(shift_x, shift_y)
    shifts = jnp.stack([sx.ravel(), sy.ravel(), sx.ravel(), sy.ravel()], axis=1)
    K = shifts.shape[0]
    anchors = (_ANCHORS.reshape(1, A, 4) + shifts.reshape(K, 1, 4)).reshape(K * A, 4)
    deltas = jnp.transpose(rpn_bbox_pred, (0, 2, 3, 1)).reshape(-1, 4)
    scores = jnp.transpose(scores4, (0, 2, 3, 1)).reshape(-1)
    proposals = _bbox_transform_inv(anchors, deltas)
    im_h, im_w, im_scale = im_info[0, 0], im_info[0, 1], im_info[0, 2]
    proposals = _clip_boxes(proposals, im_h, im_w)
    ws = proposals[:, 2] - proposals[:, 0] + 1.0
    hs = proposals[:, 3] - proposals[:, 1] + 1.0
    min_sz = _MIN_SIZE * im_scale
    valid = (ws >= min_sz) & (hs >= min_sz)
    masked = jnp.where(valid, scores, -jnp.inf)
    top_scores, order = jax.lax.top_k(masked, _PRE_NMS)
    props = proposals[order]
    valid_sorted = top_scores > -jnp.inf
    keep = _nms_keep(props, valid_sorted, _NMS_THRESH)
    sel_idx = jnp.nonzero(keep, size=_POST_NMS, fill_value=0)[0]
    sel = props[sel_idx]
    blob = jnp.concatenate([jnp.zeros((_POST_NMS, 1), jnp.float32), sel], axis=1)
    return blob

if __name__ == "__main__":
    import jax
    _d = setup_inputs()
    print(jax.jit(kernel)(*tuple(_d.values())))

</pallas_src>

<mosaic_0001>
#map = affine_map<(d0, d1) -> (0)>
module attributes {stable_mosaic.version = 14 : i64} {
  func.func @_sc_transform_body(%arg0: i32, %arg1: i32, %arg2: memref<34816xf32, #tpu.memory_space<hbm>>, %arg3: memref<34816xf32, #tpu.memory_space<hbm>>, %arg4: memref<34816xf32, #tpu.memory_space<hbm>>, %arg5: memref<34816xf32, #tpu.memory_space<hbm>>, %arg6: memref<34816xf32, #tpu.memory_space<hbm>>, %arg7: memref<34816xf32, #tpu.memory_space<hbm>>, %arg8: memref<34816xf32, #tpu.memory_space<hbm>>, %arg9: memref<34816xf32, #tpu.memory_space<hbm>>, %arg10: memref<34816xf32, #tpu.memory_space<hbm>>, %arg11: memref<48xf32, #tpu.memory_space<hbm>>, %arg12: memref<208896xf32, #tpu.memory_space<hbm>>, %arg13: memref<1088xf32, #tpu.memory_space<vmem>>, %arg14: memref<1088xf32, #tpu.memory_space<vmem>>, %arg15: memref<1088xf32, #tpu.memory_space<vmem>>, %arg16: memref<1088xf32, #tpu.memory_space<vmem>>, %arg17: memref<1088xf32, #tpu.memory_space<vmem>>, %arg18: memref<1088xf32, #tpu.memory_space<vmem>>, %arg19: memref<1088xf32, #tpu.memory_space<vmem>>, %arg20: memref<1088xf32, #tpu.memory_space<vmem>>, %arg21: memref<1088xf32, #tpu.memory_space<vmem>>, %arg22: memref<48xf32, #tpu.memory_space<vmem>>, %arg23: memref<1088xf32, #tpu.memory_space<vmem>>, %arg24: memref<1088xf32, #tpu.memory_space<vmem>>, %arg25: memref<1088xf32, #tpu.memory_space<vmem>>, %arg26: memref<1088xf32, #tpu.memory_space<vmem>>, %arg27: memref<1088xf32, #tpu.memory_space<vmem>>, %arg28: memref<1088xf32, #tpu.memory_space<vmem>>) attributes {dimension_semantics = [#tpu.dimension_semantics<core_parallel>, #tpu.dimension_semantics<subcore_parallel>], iteration_bounds = array<i64: 2, 16>, scalar_prefetch = 0 : i64, scratch_operands = 16 : i64, tpu.core_type = #tpu.core_type<sc_vector_subcore>, window_params = [{transform_indices = #map}, {transform_indices = #map}, {transform_indices = #map}, {transform_indices = #map}, {transform_indices = #map}, {transform_indices = #map}, {transform_indices = #map}, {transform_indices = #map}, {transform_indices = #map}, {transform_indices = #map}, {transform_indices = #map}]} {
    %mul3A = arith.constant 2 : i32
    %mul3A_0 = arith.muli %arg1, %mul3A : i32
    %add3A = arith.addi %mul3A_0, %arg0 : i32
    %mul3A_1 = arith.constant 1088 : i32
    %mul3A_2 = arith.muli %add3A, %mul3A_1 : i32
    "tpu.region"() ({
      %run_scoped3A = tpu.sem_alloc : memref<!tpu.dma_semaphore, #tpu.memory_space<semaphore_mem>>
      %dma_start3A = tpu.memref_slice %arg2[%mul3A_2] : memref<34816xf32, #tpu.memory_space<hbm>> -> memref<1088xf32, #tpu.memory_space<hbm>>
      %dma_start3A_29 = tpu.memref_slice %arg2[%mul3A_2] : memref<34816xf32, #tpu.memory_space<hbm>> -> memref<1088xf32, #tpu.memory_space<hbm>>
      tpu.enqueue_dma source(%dma_start3A_29 : memref<1088xf32, #tpu.memory_space<hbm>>) target(%arg13 : memref<1088xf32, #tpu.memory_space<vmem>>) target_semaphore(%run_scoped3A : memref<!tpu.dma_semaphore, #tpu.memory_space<semaphore_mem>>)
      %dma_wait3A = tpu.memref_slice %arg2[%mul3A_2] : memref<34816xf32, #tpu.memory_space<hbm>> -> memref<1088xf32, #tpu.memory_space<hbm>>
      %dma_wait3A_30 = tpu.memref_slice %arg2[%mul3A_2] : memref<34816xf32, #tpu.memory_space<hbm>> -> memref<1088xf32, #tpu.memory_space<hbm>>
      tpu.wait_dma2 semaphore(%run_scoped3A : memref<!tpu.dma_semaphore, #tpu.memory_space<semaphore_mem>>) src(%dma_wait3A_30 : memref<1088xf32, #tpu.memory_space<hbm>>) dst(%arg13 : memref<1088xf32, #tpu.memory_space<vmem>>)
      tpu.yield
    }) : () -> ()
    "tpu.region"() ({
      %run_scoped3A = tpu.sem_alloc : memref<!tpu.dma_semaphore, #tpu.memory_space<semaphore_mem>>
      %dma_start3A = tpu.memref_slice %arg3[%mul3A_2] : memref<34816xf32, #tpu.memory_space<hbm>> -> memref<1088xf32, #tpu.memory_space<hbm>>
      %dma_start3A_29 = tpu.memref_slice %arg3[%mul3A_2] : memref<34816xf32, #tpu.memory_space<hbm>> -> memref<1088xf32, #tpu.memory_space<hbm>>
      tpu.enqueue_dma source(%dma_start3A_29 : memref<1088xf32, #tpu.memory_space<hbm>>) target(%arg14 : memref<1088xf32, #tpu.memory_space<vmem>>) target_semaphore(%run_scoped3A : memref<!tpu.dma_semaphore, #tpu.memory_space<semaphore_mem>>)
      %dma_wait3A = tpu.memref_slice %arg3[%mul3A_2] : memref<34816xf32, #tpu.memory_space<hbm>> -> memref<1088xf32, #tpu.memory_space<hbm>>
      %dma_wait3A_30 = tpu.memref_slice %arg3[%mul3A_2] : memref<34816xf32, #tpu.memory_space<hbm>> -> memref<1088xf32, #tpu.memory_space<hbm>>
      tpu.wait_dma2 semaphore(%run_scoped3A : memref<!tpu.dma_semaphore, #tpu.memory_space<semaphore_mem>>) src(%dma_wait3A_30 : memref<1088xf32, #tpu.memory_space<hbm>>) dst(%arg14 : memref<1088xf32, #tpu.memory_space<vmem>>)
      tpu.yield
    }) : () -> ()
    "tpu.region"() ({
      %run_scoped3A = tpu.sem_alloc : memref<!tpu.dma_semaphore, #tpu.memory_space<semaphore_mem>>
      %dma_start3A = tpu.memref_slice %arg4[%mul3A_2] : memref<34816xf32, #tpu.memory_space<hbm>> -> memref<1088xf32, #tpu.memory_space<hbm>>
      %dma_start3A_29 = tpu.memref_slice %arg4[%mul3A_2] : memref<34816xf32, #tpu.memory_space<hbm>> -> memref<1088xf32, #tpu.memory_space<hbm>>
      tpu.enqueue_dma source(%dma_start3A_29 : memref<1088xf32, #tpu.memory_space<hbm>>) target(%arg15 : memref<1088xf32, #tpu.memory_space<vmem>>) target_semaphore(%run_scoped3A : memref<!tpu.dma_semaphore, #tpu.memory_space<semaphore_mem>>)
      %dma_wait3A = tpu.memref_slice %arg4[%mul3A_2] : memref<34816xf32, #tpu.memory_space<hbm>> -> memref<1088xf32, #tpu.memory_space<hbm>>
      %dma_wait3A_30 = tpu.memref_slice %arg4[%mul3A_2] : memref<34816xf32, #tpu.memory_space<hbm>> -> memref<1088xf32, #tpu.memory_space<hbm>>
      tpu.wait_dma2 semaphore(%run_scoped3A : memref<!tpu.dma_semaphore, #tpu.memory_space<semaphore_mem>>) src(%dma_wait3A_30 : memref<1088xf32, #tpu.memory_space<hbm>>) dst(%arg15 : memref<1088xf32, #tpu.memory_space<vmem>>)
      tpu.yield
    }) : () -> ()
    "tpu.region"() ({
      %run_scoped3A = tpu.sem_alloc : memref<!tpu.dma_semaphore, #tpu.memory_space<semaphore_mem>>
      %dma_start3A = tpu.memref_slice %arg5[%mul3A_2] : memref<34816xf32, #tpu.memory_space<hbm>> -> memref<1088xf32, #tpu.memory_space<hbm>>
      %dma_start3A_29 = tpu.memref_slice %arg5[%mul3A_2] : memref<34816xf32, #tpu.memory_space<hbm>> -> memref<1088xf32, #tpu.memory_space<hbm>>
      tpu.enqueue_dma source(%dma_start3A_29 : memref<1088xf32, #tpu.memory_space<hbm>>) target(%arg16 : memref<1088xf32, #tpu.memory_space<vmem>>) target_semaphore(%run_scoped3A : memref<!tpu.dma_semaphore, #tpu.memory_space<semaphore_mem>>)
      %dma_wait3A = tpu.memref_slice %arg5[%mul3A_2] : memref<34816xf32, #tpu.memory_space<hbm>> -> memref<1088xf32, #tpu.memory_space<hbm>>
      %dma_wait3A_30 = tpu.memref_slice %arg5[%mul3A_2] : memref<34816xf32, #tpu.memory_space<hbm>> -> memref<1088xf32, #tpu.memory_space<hbm>>
      tpu.wait_dma2 semaphore(%run_scoped3A : memref<!tpu.dma_semaphore, #tpu.memory_space<semaphore_mem>>) src(%dma_wait3A_30 : memref<1088xf32, #tpu.memory_space<hbm>>) dst(%arg16 : memref<1088xf32, #tpu.memory_space<vmem>>)
      tpu.yield
    }) : () -> ()
    "tpu.region"() ({
      %run_scoped3A = tpu.sem_alloc : memref<!tpu.dma_semaphore, #tpu.memory_space<semaphore_mem>>
      %dma_start3A = tpu.memref_slice %arg6[%mul3A_2] : memref<34816xf32, #tpu.memory_space<hbm>> -> memref<1088xf32, #tpu.memory_space<hbm>>
      %dma_start3A_29 = tpu.memref_slice %arg6[%mul3A_2] : memref<34816xf32, #tpu.memory_space<hbm>> -> memref<1088xf32, #tpu.memory_space<hbm>>
      tpu.enqueue_dma source(%dma_start3A_29 : memref<1088xf32, #tpu.memory_space<hbm>>) target(%arg17 : memref<1088xf32, #tpu.memory_space<vmem>>) target_semaphore(%run_scoped3A : memref<!tpu.dma_semaphore, #tpu.memory_space<semaphore_mem>>)
      %dma_wait3A = tpu.memref_slice %arg6[%mul3A_2] : memref<34816xf32, #tpu.memory_space<hbm>> -> memref<1088xf32, #tpu.memory_space<hbm>>
      %dma_wait3A_30 = tpu.memref_slice %arg6[%mul3A_2] : memref<34816xf32, #tpu.memory_space<hbm>> -> memref<1088xf32, #tpu.memory_space<hbm>>
      tpu.wait_dma2 semaphore(%run_scoped3A : memref<!tpu.dma_semaphore, #tpu.memory_space<semaphore_mem>>) src(%dma_wait3A_30 : memref<1088xf32, #tpu.memory_space<hbm>>) dst(%arg17 : memref<1088xf32, #tpu.memory_space<vmem>>)
      tpu.yield
    }) : () -> ()
    "tpu.region"() ({
      %run_scoped3A = tpu.sem_alloc : memref<!tpu.dma_semaphore, #tpu.memory_space<semaphore_mem>>
      %dma_start3A = tpu.memref_slice %arg7[%mul3A_2] : memref<34816xf32, #tpu.memory_space<hbm>> -> memref<1088xf32, #tpu.memory_space<hbm>>
      %dma_start3A_29 = tpu.memref_slice %arg7[%mul3A_2] : memref<34816xf32, #tpu.memory_space<hbm>> -> memref<1088xf32, #tpu.memory_space<hbm>>
      tpu.enqueue_dma source(%dma_start3A_29 : memref<1088xf32, #tpu.memory_space<hbm>>) target(%arg18 : memref<1088xf32, #tpu.memory_space<vmem>>) target_semaphore(%run_scoped3A : memref<!tpu.dma_semaphore, #tpu.memory_space<semaphore_mem>>)
      %dma_wait3A = tpu.memref_slice %arg7[%mul3A_2] : memref<34816xf32, #tpu.memory_space<hbm>> -> memref<1088xf32, #tpu.memory_space<hbm>>
      %dma_wait3A_30 = tpu.memref_slice %arg7[%mul3A_2] : memref<34816xf32, #tpu.memory_space<hbm>> -> memref<1088xf32, #tpu.memory_space<hbm>>
      tpu.wait_dma2 semaphore(%run_scoped3A : memref<!tpu.dma_semaphore, #tpu.memory_space<semaphore_mem>>) src(%dma_wait3A_30 : memref<1088xf32, #tpu.memory_space<hbm>>) dst(%arg18 : memref<1088xf32, #tpu.memory_space<vmem>>)
      tpu.yield
    }) : () -> ()
    "tpu.region"() ({
      %run_scoped3A = tpu.sem_alloc : memref<!tpu.dma_semaphore, #tpu.memory_space<semaphore_mem>>
      %dma_start3A = tpu.memref_slice %arg8[%mul3A_2] : memref<34816xf32, #tpu.memory_space<hbm>> -> memref<1088xf32, #tpu.memory_space<hbm>>
      %dma_start3A_29 = tpu.memref_slice %arg8[%mul3A_2] : memref<34816xf32, #tpu.memory_space<hbm>> -> memref<1088xf32, #tpu.memory_space<hbm>>
      tpu.enqueue_dma source(%dma_start3A_29 : memref<1088xf32, #tpu.memory_space<hbm>>) target(%arg19 : memref<1088xf32, #tpu.memory_space<vmem>>) target_semaphore(%run_scoped3A : memref<!tpu.dma_semaphore, #tpu.memory_space<semaphore_mem>>)
      %dma_wait3A = tpu.memref_slice %arg8[%mul3A_2] : memref<34816xf32, #tpu.memory_space<hbm>> -> memref<1088xf32, #tpu.memory_space<hbm>>
      %dma_wait3A_30 = tpu.memref_slice %arg8[%mul3A_2] : memref<34816xf32, #tpu.memory_space<hbm>> -> memref<1088xf32, #tpu.memory_space<hbm>>
      tpu.wait_dma2 semaphore(%run_scoped3A : memref<!tpu.dma_semaphore, #tpu.memory_space<semaphore_mem>>) src(%dma_wait3A_30 : memref<1088xf32, #tpu.memory_space<hbm>>) dst(%arg19 : memref<1088xf32, #tpu.memory_space<vmem>>)
      tpu.yield
    }) : () -> ()
    "tpu.region"() ({
      %run_scoped3A = tpu.sem_alloc : memref<!tpu.dma_semaphore, #tpu.memory_space<semaphore_mem>>
      %dma_start3A = tpu.memref_slice %arg9[%mul3A_2] : memref<34816xf32, #tpu.memory_space<hbm>> -> memref<1088xf32, #tpu.memory_space<hbm>>
      %dma_start3A_29 = tpu.memref_slice %arg9[%mul3A_2] : memref<34816xf32, #tpu.memory_space<hbm>> -> memref<1088xf32, #tpu.memory_space<hbm>>
      tpu.enqueue_dma source(%dma_start3A_29 : memref<1088xf32, #tpu.memory_space<hbm>>) target(%arg20 : memref<1088xf32, #tpu.memory_space<vmem>>) target_semaphore(%run_scoped3A : memref<!tpu.dma_semaphore, #tpu.memory_space<semaphore_mem>>)
      %dma_wait3A = tpu.memref_slice %arg9[%mul3A_2] : memref<34816xf32, #tpu.memory_space<hbm>> -> memref<1088xf32, #tpu.memory_space<hbm>>
      %dma_wait3A_30 = tpu.memref_slice %arg9[%mul3A_2] : memref<34816xf32, #tpu.memory_space<hbm>> -> memref<1088xf32, #tpu.memory_space<hbm>>
      tpu.wait_dma2 semaphore(%run_scoped3A : memref<!tpu.dma_semaphore, #tpu.memory_space<semaphore_mem>>) src(%dma_wait3A_30 : memref<1088xf32, #tpu.memory_space<hbm>>) dst(%arg20 : memref<1088xf32, #tpu.memory_space<vmem>>)
      tpu.yield
    }) : () -> ()
    "tpu.region"() ({
      %run_scoped3A = tpu.sem_alloc : memref<!tpu.dma_semaphore, #tpu.memory_space<semaphore_mem>>
      %dma_start3A = tpu.memref_slice %arg10[%mul3A_2] : memref<34816xf32, #tpu.memory_space<hbm>> -> memref<1088xf32, #tpu.memory_space<hbm>>
      %dma_start3A_29 = tpu.memref_slice %arg10[%mul3A_2] : memref<34816xf32, #tpu.memory_space<hbm>> -> memref<1088xf32, #tpu.memory_space<hbm>>
      tpu.enqueue_dma source(%dma_start3A_29 : memref<1088xf32, #tpu.memory_space<hbm>>) target(%arg21 : memref<1088xf32, #tpu.memory_space<vmem>>) target_semaphore(%run_scoped3A : memref<!tpu.dma_semaphore, #tpu.memory_space<semaphore_mem>>)
      %dma_wait3A = tpu.memref_slice %arg10[%mul3A_2] : memref<34816xf32, #tpu.memory_space<hbm>> -> memref<1088xf32, #tpu.memory_space<hbm>>
      %dma_wait3A_30 = tpu.memref_slice %arg10[%mul3A_2] : memref<34816xf32, #tpu.memory_space<hbm>> -> memref<1088xf32, #tpu.memory_space<hbm>>
      tpu.wait_dma2 semaphore(%run_scoped3A : memref<!tpu.dma_semaphore, #tpu.memory_space<semaphore_mem>>) src(%dma_wait3A_30 : memref<1088xf32, #tpu.memory_space<hbm>>) dst(%arg21 : memref<1088xf32, #tpu.memory_space<vmem>>)
      tpu.yield
    }) : () -> ()
    "tpu.region"() ({
      %run_scoped3A = tpu.sem_alloc : memref<!tpu.dma_semaphore, #tpu.memory_space<semaphore_mem>>
      tpu.enqueue_dma source(%arg11 : memref<48xf32, #tpu.memory_space<hbm>>) target(%arg22 : memref<48xf32, #tpu.memory_space<vmem>>) target_semaphore(%run_scoped3A : memref<!tpu.dma_semaphore, #tpu.memory_space<semaphore_mem>>)
      tpu.wait_dma2 semaphore(%run_scoped3A : memref<!tpu.dma_semaphore, #tpu.memory_space<semaphore_mem>>) src(%arg11 : memref<48xf32, #tpu.memory_space<hbm>>) dst(%arg22 : memref<48xf32, #tpu.memory_space<vmem>>)
      tpu.yield
    }) : () -> ()
    %get3A = arith.constant 0 : index
    %get3A_3 = tpu.vector_load %arg22[%get3A] {strides = array<i32>} : memref<48xf32, #tpu.memory_space<vmem>>, vector<16xf32>,
    %get3A_4 = vector.shape_cast %get3A_3 : vector<16xf32> to vector<16xf32>
    %get3A_5 = arith.constant 16 : index
    %get3A_6 = tpu.vector_load %arg22[%get3A_5] {strides = array<i32>} : memref<48xf32, #tpu.memory_space<vmem>>, vector<16xf32>,
    %get3A_7 = vector.shape_cast %get3A_6 : vector<16xf32> to vector<16xf32>
    %get3A_8 = arith.constant 32 : index
    %get3A_9 = tpu.vector_load %arg22[%get3A_8] {strides = array<i32>} : memref<48xf32, #tpu.memory_space<vmem>>, vector<16xf32>,
    %get3A_10 = vector.shape_cast %get3A_9 : vector<16xf32> to vector<16xf32>
    %iota3A = tpu.iota {dimensions = array<i32: 0>} : vector<16xi32>
    %scan3A = arith.constant 0 : i32
    %scan3A_11 = arith.constant 0 : i32
    %scan3A_12 = arith.constant 68 : i32
    %scan3A_13 = arith.addi %scan3A_11, %scan3A_12 : i32
    %scan3A_14 = arith.constant 1 : i32
    %scan3A_15 = scf.for %scan3A_29 = %scan3A_11 to %scan3A_13 step %scan3A_14 iter_args(%scan3A_30 = %scan3A) -> (i32)  : i32 {
      %mul3A_31 = arith.constant 16 : i32
      %mul3A_32 = arith.muli %scan3A_29, %mul3A_31 : i32
      %add3A_33 = arith.addi %mul3A_2, %mul3A_32 : i32
      %add3A_34 = vector.broadcast %add3A_33 : i32 to vector<16xi32>
      %add3A_35 = arith.addi %add3A_34, %iota3A : vector<16xi32>
      %get3A_36 = arith.index_cast %mul3A_32 : i32 to index
      %get3A_37 = tpu.vector_load %arg18[%get3A_36] {strides = array<i32>} : memref<1088xf32, #tpu.memory_space<vmem>>, vector<16xf32>,
      %get3A_38 = vector.shape_cast %get3A_37 : vector<16xf32> to vector<16xf32>
      %get3A_39 = arith.index_cast %mul3A_32 : i32 to index
      %get3A_40 = tpu.vector_load %arg19[%get3A_39] {strides = array<i32>} : memref<1088xf32, #tpu.memory_space<vmem>>, vector<16xf32>,
      %get3A_41 = vector.shape_cast %get3A_40 : vector<16xf32> to vector<16xf32>
      %get3A_42 = arith.index_cast %mul3A_32 : i32 to index
      %get3A_43 = tpu.vector_load %arg20[%get3A_42] {strides = array<i32>} : memref<1088xf32, #tpu.memory_space<vmem>>, vector<16xf32>,
      %get3A_44 = vector.shape_cast %get3A_43 : vector<16xf32> to vector<16xf32>
      %get3A_45 = arith.index_cast %mul3A_32 : i32 to index
      %get3A_46 = tpu.vector_load %arg21[%get3A_45] {strides = array<i32>} : memref<1088xf32, #tpu.memory_space<vmem>>, vector<16xf32>,
      %get3A_47 = vector.shape_cast %get3A_46 : vector<16xf32> to vector<16xf32>
      %sub3A = arith.subf %get3A_44, %get3A_38 : vector<16xf32>
      %add3A_48 = arith.constant 1.000000e+00 : f32
      %add3A_49 = vector.broadcast %add3A_48 : f32 to vector<16xf32>
      %add3A_50 = arith.addf %sub3A, %add3A_49 : vector<16xf32>
      %sub3A_51 = arith.subf %get3A_47, %get3A_41 : vector<16xf32>
      %add3A_52 = arith.constant 1.000000e+00 : f32
      %add3A_53 = vector.broadcast %add3A_52 : f32 to vector<16xf32>
      %add3A_54 = arith.addf %sub3A_51, %add3A_53 : vector<16xf32>
      %mul3A_55 = arith.constant 5.000000e-01 : f32
      %mul3A_56 = vector.broadcast %mul3A_55 : f32 to vector<16xf32>
      %mul3A_57 = arith.mulf %mul3A_56, %add3A_50 : vector<16xf32>
      %add3A_58 = arith.addf %get3A_38, %mul3A_57 : vector<16xf32>
      %mul3A_59 = arith.constant 5.000000e-01 : f32
      %mul3A_60 = vector.broadcast %mul3A_59 : f32 to vector<16xf32>
      %mul3A_61 = arith.mulf %mul3A_60, %add3A_54 : vector<16xf32>
      %add3A_62 = arith.addf %get3A_41, %mul3A_61 : vector<16xf32>
      %get3A_63 = arith.index_cast %mul3A_32 : i32 to index
      %get3A_64 = tpu.vector_load %arg14[%get3A_63] {strides = array<i32>} : memref<1088xf32, #tpu.memory_space<vmem>>, vector<16xf32>,
      %get3A_65 = vector.shape_cast %get3A_64 : vector<16xf32> to vector<16xf32>
      %mul3A_66 = arith.mulf %get3A_65, %add3A_50 : vector<16xf32>
      %add3A_67 = arith.addf %mul3A_66, %add3A_58 : vector<16xf32>
      %get3A_68 = arith.index_cast %mul3A_32 : i32 to index
      %get3A_69 = tpu.vector_load %arg15[%get3A_68] {strides = array<i32>} : memref<1088xf32, #tpu.memory_space<vmem>>, vector<16xf32>,
      %get3A_70 = vector.shape_cast %get3A_69 : vector<16xf32> to vector<16xf32>
      %mul3A_71 = arith.mulf %get3A_70, %add3A_54 : vector<16xf32>
      %add3A_72 = arith.addf %mul3A_71, %add3A_62 : vector<16xf32>
      %get3A_73 = arith.index_cast %mul3A_32 : i32 to index
      %get3A_74 = tpu.vector_load %arg16[%get3A_73] {strides = array<i32>} : memref<1088xf32, #tpu.memory_space<vmem>>, vector<16xf32>,
      %get3A_75 = vector.shape_cast %get3A_74 : vector<16xf32> to vector<16xf32>
      %exp3A = math.exp %get3A_75 : vector<16xf32>
      %mul3A_76 = arith.mulf %exp3A, %add3A_50 : vector<16xf32>
      %get3A_77 = arith.index_cast %mul3A_32 : i32 to index
      %get3A_78 = tpu.vector_load %arg17[%get3A_77] {strides = array<i32>} : memref<1088xf32, #tpu.memory_space<vmem>>, vector<16xf32>,
      %get3A_79 = vector.shape_cast %get3A_78 : vector<16xf32> to vector<16xf32>
      %exp3A_80 = math.exp %get3A_79 : vector<16xf32>
      %mul3A_81 = arith.mulf %exp3A_80, %add3A_54 : vector<16xf32>
      %mul3A_82 = arith.constant 5.000000e-01 : f32
      %mul3A_83 = vector.broadcast %mul3A_82 : f32 to vector<16xf32>
      %mul3A_84 = arith.mulf %mul3A_83, %mul3A_76 : vector<16xf32>
      %sub3A_85 = arith.subf %add3A_67, %mul3A_84 : vector<16xf32>
      %sub3A_86 = arith.constant 1.000000e+00 : f32
      %sub3A_87 = vector.broadcast %sub3A_86 : f32 to vector<16xf32>
      %sub3A_88 = arith.subf %get3A_7, %sub3A_87 : vector<16xf32>
      %jit3A = arith.constant 0.000000e+00 : f32
      %max3A = vector.broadcast %jit3A : f32 to vector<16xf32>
      %max3A_89 = arith.maximumf %max3A, %sub3A_85 : vector<16xf32>
      %min3A = arith.minimumf %sub3A_88, %max3A_89 : vector<16xf32>
      %mul3A_90 = arith.constant 5.000000e-01 : f32
      %mul3A_91 = vector.broadcast %mul3A_90 : f32 to vector<16xf32>
      %mul3A_92 = arith.mulf %mul3A_91, %mul3A_81 : vector<16xf32>
      %sub3A_93 = arith.subf %add3A_72, %mul3A_92 : vector<16xf32>
      %sub3A_94 = arith.constant 1.000000e+00 : f32
      %sub3A_95 = vector.broadcast %sub3A_94 : f32 to vector<16xf32>
      %sub3A_96 = arith.subf %get3A_4, %sub3A_95 : vector<16xf32>
      %jit3A_97 = arith.constant 0.000000e+00 : f32
      %max3A_98 = vector.broadcast %jit3A_97 : f32 to vector<16xf32>
      %max3A_99 = arith.maximumf %max3A_98, %sub3A_93 : vector<16xf32>
      %min3A_100 = arith.minimumf %sub3A_96, %max3A_99 : vector<16xf32>
      %mul3A_101 = arith.constant 5.000000e-01 : f32
      %mul3A_102 = vector.broadcast %mul3A_101 : f32 to vector<16xf32>
      %mul3A_103 = arith.mulf %mul3A_102, %mul3A_76 : vector<16xf32>
      %add3A_104 = arith.addf %add3A_67, %mul3A_103 : vector<16xf32>
      %sub3A_105 = arith.constant 1.000000e+00 : f32
      %sub3A_106 = vector.broadcast %sub3A_105 : f32 to vector<16xf32>
      %sub3A_107 = arith.subf %get3A_7, %sub3A_106 : vector<16xf32>
      %jit3A_108 = arith.constant 0.000000e+00 : f32
      %max3A_109 = vector.broadcast %jit3A_108 : f32 to vector<16xf32>
      %max3A_110 = arith.maximumf %max3A_109, %add3A_104 : vector<16xf32>
      %min3A_111 = arith.minimumf %sub3A_107, %max3A_110 : vector<16xf32>
      %mul3A_112 = arith.constant 5.000000e-01 : f32
      %mul3A_113 = vector.broadcast %mul3A_112 : f32 to vector<16xf32>
      %mul3A_114 = arith.mulf %mul3A_113, %mul3A_81 : vector<16xf32>
      %add3A_115 = arith.addf %add3A_72, %mul3A_114 : vector<16xf32>
      %sub3A_116 = arith.constant 1.000000e+00 : f32
      %sub3A_117 = vector.broadcast %sub3A_116 : f32 to vector<16xf32>
      %sub3A_118 = arith.subf %get3A_4, %sub3A_117 : vector<16xf32>
      %jit3A_119 = arith.constant 0.000000e+00 : f32
      %max3A_120 = vector.broadcast %jit3A_119 : f32 to vector<16xf32>
      %max3A_121 = arith.maximumf %max3A_120, %add3A_115 : vector<16xf32>
      %min3A_122 = arith.minimumf %sub3A_118, %max3A_121 : vector<16xf32>
      %sub3A_123 = arith.subf %min3A_111, %min3A : vector<16xf32>
      %add3A_124 = arith.constant 1.000000e+00 : f32
      %add3A_125 = vector.broadcast %add3A_124 : f32 to vector<16xf32>
      %add3A_126 = arith.addf %sub3A_123, %add3A_125 : vector<16xf32>
      %sub3A_127 = arith.subf %min3A_122, %min3A_100 : vector<16xf32>
      %add3A_128 = arith.constant 1.000000e+00 : f32
      %add3A_129 = vector.broadcast %add3A_128 : f32 to vector<16xf32>
      %add3A_130 = arith.addf %sub3A_127, %add3A_129 : vector<16xf32>
      %ge3A = arith.cmpf oge, %add3A_126, %get3A_10 : vector<16xf32>
      %ge3A_131 = arith.cmpf oge, %add3A_130, %get3A_10 : vector<16xf32>
      %and3A = arith.andi %ge3A, %ge3A_131 : vector<16xi1>
      %lt3A = arith.constant 34200 : i32
      %lt3A_132 = vector.broadcast %lt3A : i32 to vector<16xi32>
      %lt3A_133 = arith.cmpi slt, %add3A_35, %lt3A_132 : vector<16xi32>
      %and3A_134 = arith.andi %and3A, %lt3A_133 : vector<16xi1>
      %get3A_135 = arith.index_cast %mul3A_32 : i32 to index
      %get3A_136 = tpu.vector_load %arg13[%get3A_135] {strides = array<i32>} : memref<1088xf32, #tpu.memory_space<vmem>>, vector<16xf32>,
      %get3A_137 = vector.shape_cast %get3A_136 : vector<16xf32> to vector<16xf32>
      %bitcast_convert_type3A = tpu.bitcast %get3A_137 : vector<16xf32> -> vector<16xi32>
      %add3A_138 = arith.constant 1 : i32
      %add3A_139 = vector.broadcast %add3A_138 : i32 to vector<16xi32>
      %add3A_140 = arith.addi %bitcast_convert_type3A, %add3A_139 : vector<16xi32>
      %jit3A_141 = arith.constant 0 : i32
      %broadcast_in_dim3A = vector.broadcast %jit3A_141 : i32 to vector<16xi32>
      %select_n3A = arith.select %and3A_134, %add3A_140, %broadcast_in_dim3A : vector<16xi1>, vector<16xi32>
      %xor3A = arith.constant -2147483648 : i32
      %xor3A_142 = vector.broadcast %xor3A : i32 to vector<16xi32>
      %xor3A_143 = arith.xori %select_n3A, %xor3A_142 : vector<16xi32>
      %swap3A = arith.index_cast %mul3A_32 : i32 to index
      %swap3A_144 = tpu.vector_load %arg23[%swap3A] {strides = array<i32>} : memref<1088xf32, #tpu.memory_space<vmem>>, vector<16xf32>,
      %swap3A_145 = vector.shape_cast %swap3A_144 : vector<16xf32> to vector<16xf32>
      %swap3A_146 = vector.shape_cast %min3A : vector<16xf32> to vector<16xf32>
      tpu.vector_store %arg23[%swap3A], %swap3A_146 {strides = array<i32>} : memref<1088xf32, #tpu.memory_space<vmem>>, vector<16xf32>,
      %swap3A_147 = arith.index_cast %mul3A_32 : i32 to index
      %swap3A_148 = tpu.vector_load %arg24[%swap3A_147] {strides = array<i32>} : memref<1088xf32, #tpu.memory_space<vmem>>, vector<16xf32>,
      %swap3A_149 = vector.shape_cast %swap3A_148 : vector<16xf32> to vector<16xf32>
      %swap3A_150 = vector.shape_cast %min3A_100 : vector<16xf32> to vector<16xf32>
      tpu.vector_store %arg24[%swap3A_147], %swap3A_150 {strides = array<i32>} : memref<1088xf32, #tpu.memory_space<vmem>>, vector<16xf32>,
      %swap3A_151 = arith.index_cast %mul3A_32 : i32 to index
      %swap3A_152 = tpu.vector_load %arg25[%swap3A_151] {strides = array<i32>} : memref<1088xf32, #tpu.memory_space<vmem>>, vector<16xf32>,
      %swap3A_153 = vector.shape_cast %swap3A_152 : vector<16xf32> to vector<16xf32>
      %swap3A_154 = vector.shape_cast %min3A_111 : vector<16xf32> to vector<16xf32>
      tpu.vector_store %arg25[%swap3A_151], %swap3A_154 {strides = array<i32>} : memref<1088xf32, #tpu.memory_space<vmem>>, vector<16xf32>,
      %swap3A_155 = arith.index_cast %mul3A_32 : i32 to index
      %swap3A_156 = tpu.vector_load %arg26[%swap3A_155] {strides = array<i32>} : memref<1088xf32, #tpu.memory_space<vmem>>, vector<16xf32>,
      %swap3A_157 = vector.shape_cast %swap3A_156 : vector<16xf32> to vector<16xf32>
      %swap3A_158 = vector.shape_cast %min3A_122 : vector<16xf32> to vector<16xf32>
      tpu.vector_store %arg26[%swap3A_155], %swap3A_158 {strides = array<i32>} : memref<1088xf32, #tpu.memory_space<vmem>>, vector<16xf32>,
      %mul3A_159 = arith.mulf %add3A_126, %add3A_130 : vector<16xf32>
      %swap3A_160 = arith.index_cast %mul3A_32 : i32 to index
      %swap3A_161 = tpu.vector_load %arg27[%swap3A_160] {strides = array<i32>} : memref<1088xf32, #tpu.memory_space<vmem>>, vector<16xf32>,
      %swap3A_162 = vector.shape_cast %swap3A_161 : vector<16xf32> to vector<16xf32>
      %swap3A_163 = vector.shape_cast %mul3A_159 : vector<16xf32> to vector<16xf32>
      tpu.vector_store %arg27[%swap3A_160], %swap3A_163 {strides = array<i32>} : memref<1088xf32, #tpu.memory_space<vmem>>, vector<16xf32>,
      %bitcast_convert_type3A_164 = tpu.bitcast %xor3A_143 : vector<16xi32> -> vector<16xf32>
      %swap3A_165 = arith.index_cast %mul3A_32 : i32 to index
      %swap3A_166 = tpu.vector_load %arg28[%swap3A_165] {strides = array<i32>} : memref<1088xf32, #tpu.memory_space<vmem>>, vector<16xf32>,
      %swap3A_167 = vector.shape_cast %swap3A_166 : vector<16xf32> to vector<16xf32>
      %swap3A_168 = vector.shape_cast %bitcast_convert_type3A_164 : vector<16xf32> to vector<16xf32>
      tpu.vector_store %arg28[%swap3A_165], %swap3A_168 {strides = array<i32>} : memref<1088xf32, #tpu.memory_space<vmem>>, vector<16xf32>,
      %scan3A_169 = arith.constant 0 : i32
      scf.yield %scan3A_169 : i32
    }
    %scan3A_16 = arith.constant 68 : i32
    %add3A_17 = arith.constant 0 : i32
    %add3A_18 = arith.addi %add3A_17, %mul3A_2 : i32
    "tpu.region"() ({
      %run_scoped3A = tpu.sem_alloc : memref<!tpu.dma_semaphore, #tpu.memory_space<semaphore_mem>>
      %dma_start3A = tpu.memref_slice %arg12[%add3A_18] : memref<208896xf32, #tpu.memory_space<hbm>> -> memref<1088xf32, #tpu.memory_space<hbm>>
      %dma_start3A_29 = tpu.memref_slice %arg12[%add3A_18] : memref<208896xf32, #tpu.memory_space<hbm>> -> memref<1088xf32, #tpu.memory_space<hbm>>
      tpu.enqueue_dma source(%arg23 : memref<1088xf32, #tpu.memory_space<vmem>>) target(%dma_start3A_29 : memref<1088xf32, #tpu.memory_space<hbm>>) target_semaphore(%run_scoped3A : memref<!tpu.dma_semaphore, #tpu.memory_space<semaphore_mem>>)
      %dma_wait3A = tpu.memref_slice %arg12[%add3A_18] : memref<208896xf32, #tpu.memory_space<hbm>> -> memref<1088xf32, #tpu.memory_space<hbm>>
      %dma_wait3A_30 = tpu.memref_slice %arg12[%add3A_18] : memref<208896xf32, #tpu.memory_space<hbm>> -> memref<1088xf32, #tpu.memory_space<hbm>>
      tpu.wait_dma2 semaphore(%run_scoped3A : memref<!tpu.dma_semaphore, #tpu.memory_space<semaphore_mem>>) src(%arg23 : memref<1088xf32, #tpu.memory_space<vmem>>) dst(%dma_wait3A_30 : memref<1088xf32, #tpu.memory_space<hbm>>)
      tpu.yield
    }) : () -> ()
    %add3A_19 = arith.constant 34816 : i32
    %add3A_20 = arith.addi %add3A_19, %mul3A_2 : i32
    "tpu.region"() ({
      %run_scoped3A = tpu.sem_alloc : memref<!tpu.dma_semaphore, #tpu.memory_space<semaphore_mem>>
      %dma_start3A = tpu.memref_slice %arg12[%add3A_20] : memref<208896xf32, #tpu.memory_space<hbm>> -> memref<1088xf32, #tpu.memory_space<hbm>>
      %dma_start3A_29 = tpu.memref_slice %arg12[%add3A_20] : memref<208896xf32, #tpu.memory_space<hbm>> -> memref<1088xf32, #tpu.memory_space<hbm>>
      tpu.enqueue_dma source(%arg24 : memref<1088xf32, #tpu.memory_space<vmem>>) target(%dma_start3A_29 : memref<1088xf32, #tpu.memory_space<hbm>>) target_semaphore(%run_scoped3A : memref<!tpu.dma_semaphore, #tpu.memory_space<semaphore_mem>>)
      %dma_wait3A = tpu.memref_slice %arg12[%add3A_20] : memref<208896xf32, #tpu.memory_space<hbm>> -> memref<1088xf32, #tpu.memory_space<hbm>>
      %dma_wait3A_30 = tpu.memref_slice %arg12[%add3A_20] : memref<208896xf32, #tpu.memory_space<hbm>> -> memref<1088xf32, #tpu.memory_space<hbm>>
      tpu.wait_dma2 semaphore(%run_scoped3A : memref<!tpu.dma_semaphore, #tpu.memory_space<semaphore_mem>>) src(%arg24 : memref<1088xf32, #tpu.memory_space<vmem>>) dst(%dma_wait3A_30 : memref<1088xf32, #tpu.memory_space<hbm>>)
      tpu.yield
    }) : () -> ()
    %add3A_21 = arith.constant 69632 : i32
    %add3A_22 = arith.addi %add3A_21, %mul3A_2 : i32
    "tpu.region"() ({
      %run_scoped3A = tpu.sem_alloc : memref<!tpu.dma_semaphore, #tpu.memory_space<semaphore_mem>>
      %dma_start3A = tpu.memref_slice %arg12[%add3A_22] : memref<208896xf32, #tpu.memory_space<hbm>> -> memref<1088xf32, #tpu.memory_space<hbm>>
      %dma_start3A_29 = tpu.memref_slice %arg12[%add3A_22] : memref<208896xf32, #tpu.memory_space<hbm>> -> memref<1088xf32, #tpu.memory_space<hbm>>
      tpu.enqueue_dma source(%arg25 : memref<1088xf32, #tpu.memory_space<vmem>>) target(%dma_start3A_29 : memref<1088xf32, #tpu.memory_space<hbm>>) target_semaphore(%run_scoped3A : memref<!tpu.dma_semaphore, #tpu.memory_space<semaphore_mem>>)
      %dma_wait3A = tpu.memref_slice %arg12[%add3A_22] : memref<208896xf32, #tpu.memory_space<hbm>> -> memref<1088xf32, #tpu.memory_space<hbm>>
      %dma_wait3A_30 = tpu.memref_slice %arg12[%add3A_22] : memref<208896xf32, #tpu.memory_space<hbm>> -> memref<1088xf32, #tpu.memory_space<hbm>>
      tpu.wait_dma2 semaphore(%run_scoped3A : memref<!tpu.dma_semaphore, #tpu.memory_space<semaphore_mem>>) src(%arg25 : memref<1088xf32, #tpu.memory_space<vmem>>) dst(%dma_wait3A_30 : memref<1088xf32, #tpu.memory_space<hbm>>)
      tpu.yield
    }) : () -> ()
    %add3A_23 = arith.constant 104448 : i32
    %add3A_24 = arith.addi %add3A_23, %mul3A_2 : i32
    "tpu.region"() ({
      %run_scoped3A = tpu.sem_alloc : memref<!tpu.dma_semaphore, #tpu.memory_space<semaphore_mem>>
      %dma_start3A = tpu.memref_slice %arg12[%add3A_24] : memref<208896xf32, #tpu.memory_space<hbm>> -> memref<1088xf32, #tpu.memory_space<hbm>>
      %dma_start3A_29 = tpu.memref_slice %arg12[%add3A_24] : memref<208896xf32, #tpu.memory_space<hbm>> -> memref<1088xf32, #tpu.memory_space<hbm>>
      tpu.enqueue_dma source(%arg26 : memref<1088xf32, #tpu.memory_space<vmem>>) target(%dma_start3A_29 : memref<1088xf32, #tpu.memory_space<hbm>>) target_semaphore(%run_scoped3A : memref<!tpu.dma_semaphore, #tpu.memory_space<semaphore_mem>>)
      %dma_wait3A = tpu.memref_slice %arg12[%add3A_24] : memref<208896xf32, #tpu.memory_space<hbm>> -> memref<1088xf32, #tpu.memory_space<hbm>>
      %dma_wait3A_30 = tpu.memref_slice %arg12[%add3A_24] : memref<208896xf32, #tpu.memory_space<hbm>> -> memref<1088xf32, #tpu.memory_space<hbm>>
      tpu.wait_dma2 semaphore(%run_scoped3A : memref<!tpu.dma_semaphore, #tpu.memory_space<semaphore_mem>>) src(%arg26 : memref<1088xf32, #tpu.memory_space<vmem>>) dst(%dma_wait3A_30 : memref<1088xf32, #tpu.memory_space<hbm>>)
      tpu.yield
    }) : () -> ()
    %add3A_25 = arith.constant 139264 : i32
    %add3A_26 = arith.addi %add3A_25, %mul3A_2 : i32
    "tpu.region"() ({
      %run_scoped3A = tpu.sem_alloc : memref<!tpu.dma_semaphore, #tpu.memory_space<semaphore_mem>>
      %dma_start3A = tpu.memref_slice %arg12[%add3A_26] : memref<208896xf32, #tpu.memory_space<hbm>> -> memref<1088xf32, #tpu.memory_space<hbm>>
      %dma_start3A_29 = tpu.memref_slice %arg12[%add3A_26] : memref<208896xf32, #tpu.memory_space<hbm>> -> memref<1088xf32, #tpu.memory_space<hbm>>
      tpu.enqueue_dma source(%arg27 : memref<1088xf32, #tpu.memory_space<vmem>>) target(%dma_start3A_29 : memref<1088xf32, #tpu.memory_space<hbm>>) target_semaphore(%run_scoped3A : memref<!tpu.dma_semaphore, #tpu.memory_space<semaphore_mem>>)
      %dma_wait3A = tpu.memref_slice %arg12[%add3A_26] : memref<208896xf32, #tpu.memory_space<hbm>> -> memref<1088xf32, #tpu.memory_space<hbm>>
      %dma_wait3A_30 = tpu.memref_slice %arg12[%add3A_26] : memref<208896xf32, #tpu.memory_space<hbm>> -> memref<1088xf32, #tpu.memory_space<hbm>>
      tpu.wait_dma2 semaphore(%run_scoped3A : memref<!tpu.dma_semaphore, #tpu.memory_space<semaphore_mem>>) src(%arg27 : memref<1088xf32, #tpu.memory_space<vmem>>) dst(%dma_wait3A_30 : memref<1088xf32, #tpu.memory_space<hbm>>)
      tpu.yield
    }) : () -> ()
    %add3A_27 = arith.constant 174080 : i32
    %add3A_28 = arith.addi %add3A_27, %mul3A_2 : i32
    "tpu.region"() ({
      %run_scoped3A = tpu.sem_alloc : memref<!tpu.dma_semaphore, #tpu.memory_space<semaphore_mem>>
      %dma_start3A = tpu.memref_slice %arg12[%add3A_28] : memref<208896xf32, #tpu.memory_space<hbm>> -> memref<1088xf32, #tpu.memory_space<hbm>>
      %dma_start3A_29 = tpu.memref_slice %arg12[%add3A_28] : memref<208896xf32, #tpu.memory_space<hbm>> -> memref<1088xf32, #tpu.memory_space<hbm>>
      tpu.enqueue_dma source(%arg28 : memref<1088xf32, #tpu.memory_space<vmem>>) target(%dma_start3A_29 : memref<1088xf32, #tpu.memory_space<hbm>>) target_semaphore(%run_scoped3A : memref<!tpu.dma_semaphore, #tpu.memory_space<semaphore_mem>>)
      %dma_wait3A = tpu.memref_slice %arg12[%add3A_28] : memref<208896xf32, #tpu.memory_space<hbm>> -> memref<1088xf32, #tpu.memory_space<hbm>>
      %dma_wait3A_30 = tpu.memref_slice %arg12[%add3A_28] : memref<208896xf32, #tpu.memory_space<hbm>> -> memref<1088xf32, #tpu.memory_space<hbm>>
      tpu.wait_dma2 semaphore(%run_scoped3A : memref<!tpu.dma_semaphore, #tpu.memory_space<semaphore_mem>>) src(%arg28 : memref<1088xf32, #tpu.memory_space<vmem>>) dst(%dma_wait3A_30 : memref<1088xf32, #tpu.memory_space<hbm>>)
      tpu.yield
    }) : () -> ()
    return
  }
}

module attributes {stable_mosaic.version = 14 : i64} {
  func.func @_tc_body(%arg0: memref<6x272x128xf32, #tpu.memory_space<vmem>>, %arg1: memref<304x128xf32, #tpu.memory_space<vmem>>, %arg2: memref<272x128xi32, #tpu.memory_space<vmem>>) attributes {dimension_semantics = [], scalar_prefetch = 0 : i64, scratch_operands = 1 : i64, tpu.core_type = #tpu.core_type<tc>} {
    %iota3A = tpu.iota {dimensions = array<i32: 0>} : vector<272x128xi32>
    %mul3A = arith.constant 128 : i32
    %mul3A_0 = vector.broadcast %mul3A : i32 to vector<272x128xi32>
    %mul3A_1 = arith.muli %iota3A, %mul3A_0 : vector<272x128xi32>
    %iota3A_2 = tpu.iota {dimensions = array<i32: 1>} : vector<272x128xi32>
    %add3A = arith.addi %mul3A_1, %iota3A_2 : vector<272x128xi32>
    %get3A = arith.constant 5 : index
    %get3A_3 = arith.constant 0 : index
    %get3A_4 = arith.constant 0 : index
    %get3A_5 = vector.load %arg0[%get3A, %get3A_3, %get3A_4] : memref<6x272x128xf32, #tpu.memory_space<vmem>>, vector<1x272x128xf32>
    %get3A_6 = vector.shape_cast %get3A_5 : vector<1x272x128xf32> to vector<272x128xf32>
    %bitcast_convert_type3A = tpu.bitcast %get3A_6 : vector<272x128xf32> -> vector<272x128xi32>
    %scan3A = arith.constant -2147483648 : i32
    %scan3A_7 = arith.constant 0 : i32
    %scan3A_8 = arith.constant 0 : i32
    %scan3A_9 = arith.constant 32 : i32
    %scan3A_10 = arith.addi %scan3A_8, %scan3A_9 : i32
    %scan3A_11 = arith.constant 1 : i32
    %scan3A_12 = scf.for %scan3A_173 = %scan3A_8 to %scan3A_10 step %scan3A_11 iter_args(%scan3A_174 = %scan3A_7) -> (i32)  : i32 {
      %sub3A_175 = arith.constant 31 : i32
      %sub3A_176 = arith.subi %sub3A_175, %scan3A_173 : i32
      %shift_left3A = arith.constant 1 : i32
      %shift_left3A_177 = arith.shli %shift_left3A, %sub3A_176 : i32
      %or3A_178 = arith.ori %scan3A_174, %shift_left3A_177 : i32
      %xor3A_179 = arith.xori %or3A_178, %scan3A : i32
      %ge3A = vector.broadcast %xor3A_179 : i32 to vector<272x128xi32>
      %ge3A_180 = arith.cmpi sge, %bitcast_convert_type3A, %ge3A : vector<272x128xi32>
      %convert_element_type3A_181 = arith.extui %ge3A_180 : vector<272x128xi1> to vector<272x128xi32>
      %reduce_sum3A_182 = vector.shape_cast %convert_element_type3A_181 : vector<272x128xi32> to vector<1x272x128xi32>
      %reduce_sum3A_183 = arith.constant dense<0> : vector<1xi32>
      %reduce_sum3A_184 = vector.multi_reduction <add>, %reduce_sum3A_182, %reduce_sum3A_183 [1, 2] : vector<1x272x128xi32> to vector<1xi32>
      %reduce_sum3A_185 = vector.shape_cast %reduce_sum3A_184 : vector<1xi32> to vector<1x1x1xi32>
      %reduce_sum3A_186 = vector.extract %reduce_sum3A_185[0, 0, 0] : i32 from vector<1x1x1xi32>
      %ge3A_187 = arith.constant 6000 : i32
      %ge3A_188 = arith.cmpi sge, %reduce_sum3A_186, %ge3A_187 : i32
      %select_n3A_189 = arith.select %ge3A_188, %or3A_178, %scan3A_174 : i32
      scf.yield %select_n3A_189 : i32
    }
    %scan3A_13 = arith.constant 32 : i32
    %xor3A = arith.constant -2147483648 : i32
    %xor3A_14 = arith.xori %scan3A_12, %xor3A : i32
    %gt3A = vector.broadcast %xor3A_14 : i32 to vector<272x128xi32>
    %gt3A_15 = arith.cmpi sgt, %bitcast_convert_type3A, %gt3A : vector<272x128xi32>
    %convert_element_type3A = arith.extui %gt3A_15 : vector<272x128xi1> to vector<272x128xi32>
    %reduce_sum3A = vector.shape_cast %convert_element_type3A : vector<272x128xi32> to vector<1x272x128xi32>
    %reduce_sum3A_16 = arith.constant dense<0> : vector<1xi32>
    %reduce_sum3A_17 = vector.multi_reduction <add>, %reduce_sum3A, %reduce_sum3A_16 [1, 2] : vector<1x272x128xi32> to vector<1xi32>
    %reduce_sum3A_18 = vector.shape_cast %reduce_sum3A_17 : vector<1xi32> to vector<1x1x1xi32>
    %reduce_sum3A_19 = vector.extract %reduce_sum3A_18[0, 0, 0] : i32 from vector<1x1x1xi32>
    %sub3A = arith.constant 6000 : i32
    %sub3A_20 = arith.subi %sub3A, %reduce_sum3A_19 : i32
    %eq3A = vector.broadcast %xor3A_14 : i32 to vector<272x128xi32>
    %eq3A_21 = arith.cmpi eq, %bitcast_convert_type3A, %eq3A : vector<272x128xi32>
    %convert_element_type3A_22 = arith.extui %eq3A_21 : vector<272x128xi1> to vector<272x128xi32>
    %scan3A_23 = arith.constant 0 : i32
    %scan3A_24 = arith.constant 1 : i32
    %scan3A_25 = arith.constant 16 : i32
    %scan3A_26 = arith.addi %scan3A_24, %scan3A_25 : i32
    %scan3A_27 = arith.constant 1 : i32
    %scan3A_28 = scf.for %scan3A_173 = %scan3A_24 to %scan3A_26 step %scan3A_27 iter_args(%scan3A_174 = %scan3A_23) -> (i32)  : i32 {
      %sub3A_175 = arith.constant 16 : i32
      %sub3A_176 = arith.subi %sub3A_175, %scan3A_173 : i32
      %shift_left3A = arith.constant 1 : i32
      %shift_left3A_177 = arith.shli %shift_left3A, %sub3A_176 : i32
      %or3A_178 = arith.ori %scan3A_174, %shift_left3A_177 : i32
      %lt3A_179 = vector.broadcast %or3A_178 : i32 to vector<272x128xi32>
      %lt3A_180 = arith.cmpi slt, %add3A, %lt3A_179 : vector<272x128xi32>
      %jit3A_181 = arith.constant 0 : i32
      %broadcast_in_dim3A_182 = vector.broadcast %jit3A_181 : i32 to vector<272x128xi32>
      %select_n3A_183 = arith.select %lt3A_180, %convert_element_type3A_22, %broadcast_in_dim3A_182 : vector<272x128xi1>, vector<272x128xi32>
      %reduce_sum3A_184 = vector.shape_cast %select_n3A_183 : vector<272x128xi32> to vector<1x272x128xi32>
      %reduce_sum3A_185 = arith.constant dense<0> : vector<1xi32>
      %reduce_sum3A_186 = vector.multi_reduction <add>, %reduce_sum3A_184, %reduce_sum3A_185 [1, 2] : vector<1x272x128xi32> to vector<1xi32>
      %reduce_sum3A_187 = vector.shape_cast %reduce_sum3A_186 : vector<1xi32> to vector<1x1x1xi32>
      %reduce_sum3A_188 = vector.extract %reduce_sum3A_187[0, 0, 0] : i32 from vector<1x1x1xi32>
      %le3A = arith.cmpi sle, %reduce_sum3A_188, %sub3A_20 : i32
      %select_n3A_189 = arith.select %le3A, %or3A_178, %scan3A_174 : i32
      scf.yield %select_n3A_189 : i32
    }
    %scan3A_29 = arith.constant 16 : i32
    %gt3A_30 = vector.broadcast %xor3A_14 : i32 to vector<272x128xi32>
    %gt3A_31 = arith.cmpi sgt, %bitcast_convert_type3A, %gt3A_30 : vector<272x128xi32>
    %ne3A = arith.constant 0 : i32
    %ne3A_32 = arith.cmpi ne, %scan3A_12, %ne3A : i32
    %eq3A_33 = vector.broadcast %xor3A_14 : i32 to vector<272x128xi32>
    %eq3A_34 = arith.cmpi eq, %bitcast_convert_type3A, %eq3A_33 : vector<272x128xi32>
    %and3A = vector.broadcast %ne3A_32 : i1 to vector<272x128xi1>
    %and3A_35 = arith.andi %and3A, %eq3A_34 : vector<272x128xi1>
    %lt3A = vector.broadcast %scan3A_28 : i32 to vector<272x128xi32>
    %lt3A_36 = arith.cmpi slt, %add3A, %lt3A : vector<272x128xi32>
    %and3A_37 = arith.andi %and3A_35, %lt3A_36 : vector<272x128xi1>
    %or3A = arith.ori %gt3A_31, %and3A_37 : vector<272x128xi1>
    %jit3A = arith.constant -2147483648 : i32
    %broadcast_in_dim3A = vector.broadcast %jit3A : i32 to vector<272x128xi32>
    %select_n3A = arith.select %or3A, %bitcast_convert_type3A, %broadcast_in_dim3A : vector<272x128xi1>, vector<272x128xi32>
    %swap3A = arith.constant 0 : index
    %swap3A_38 = arith.constant 0 : index
    %swap3A_39 = vector.load %arg2[%swap3A, %swap3A_38] : memref<272x128xi32, #tpu.memory_space<vmem>>, vector<272x128xi32>
    tpu.vector_store %arg2[%swap3A, %swap3A_38], %select_n3A {strides = array<i32>} : memref<272x128xi32, #tpu.memory_space<vmem>>, vector<272x128xi32>,
    %iota3A_40 = tpu.iota {dimensions = array<i32: 1>} : vector<1x128xi32>
    %get3A_41 = arith.constant 0 : index
    %get3A_42 = arith.constant 0 : index
    %get3A_43 = vector.load %arg2[%get3A_41, %get3A_42] : memref<272x128xi32, #tpu.memory_space<vmem>>, vector<272x128xi32>
    %reduce_max3A = vector.shape_cast %get3A_43 : vector<272x128xi32> to vector<1x272x128xi32>
    %reduce_max3A_44 = arith.constant dense<-2147483648> : vector<1xi32>
    %reduce_max3A_45 = vector.multi_reduction <maxsi>, %reduce_max3A, %reduce_max3A_44 [1, 2] : vector<1x272x128xi32> to vector<1xi32>
    %reduce_max3A_46 = vector.shape_cast %reduce_max3A_45 : vector<1xi32> to vector<1x1x1xi32>
    %reduce_max3A_47 = vector.extract %reduce_max3A_46[0, 0, 0] : i32 from vector<1x1x1xi32>
    %while3A = arith.constant -2147483648 : i32
    %while3A_48 = arith.constant 0 : i32
    %while3A_49 = arith.constant 0.000000e+00 : f32
    %while3A_50 = arith.constant 1 : i32
    %while3A_51 = arith.constant 2 : i32
    %while3A_52 = arith.constant 3 : i32
    %while3A_53 = arith.constant 4 : i32
    %while3A_54 = arith.constant -2147483648 : i32
    %while3A_55 = arith.constant 0 : i32
    %while3A_56:2 = scf.while (%while3A_173 = %while3A_55, %while3A_174 = %reduce_max3A_47) : (i32, i32) -> (i32, i32) {
      %lt3A_175 = arith.constant 300 : i32
      %lt3A_176 = arith.cmpi slt, %while3A_173, %lt3A_175 : i32
      %gt3A_177 = arith.cmpi sgt, %while3A_174, %while3A : i32
      %and3A_178 = arith.andi %lt3A_176, %gt3A_177 : i1
      scf.condition(%and3A_178) %while3A_173, %while3A_174 : i32, i32
    } do {
    ^bb0(%while3A_173: i32, %while3A_174: i32):
      %get3A_175 = arith.constant 0 : index
      %get3A_176 = arith.constant 0 : index
      %get3A_177 = vector.load %arg2[%get3A_175, %get3A_176] : memref<272x128xi32, #tpu.memory_space<vmem>>, vector<272x128xi32>
      %eq3A_178 = vector.broadcast %while3A_174 : i32 to vector<272x128xi32>
      %eq3A_179 = arith.cmpi eq, %get3A_177, %eq3A_178 : vector<272x128xi32>
      %jit3A_180 = arith.constant 34816 : i32
      %broadcast_in_dim3A_181 = vector.broadcast %jit3A_180 : i32 to vector<272x128xi32>
      %select_n3A_182 = arith.select %eq3A_179, %add3A, %broadcast_in_dim3A_181 : vector<272x128xi1>, vector<272x128xi32>
      %reduce_min3A = vector.shape_cast %select_n3A_182 : vector<272x128xi32> to vector<1x272x128xi32>
      %reduce_min3A_183 = arith.constant dense<2147483647> : vector<1xi32>
      %reduce_min3A_184 = vector.multi_reduction <minsi>, %reduce_min3A, %reduce_min3A_183 [1, 2] : vector<1x272x128xi32> to vector<1xi32>
      %reduce_min3A_185 = vector.shape_cast %reduce_min3A_184 : vector<1xi32> to vector<1x1x1xi32>
      %reduce_min3A_186 = vector.extract %reduce_min3A_185[0, 0, 0] : i32 from vector<1x1x1xi32>
      %jit3A_187 = arith.constant 128 : i32
      %div3A = arith.divsi %reduce_min3A_186, %jit3A_187 : i32
      %sign3A = arith.constant 0 : i32
      %sign3A_188 = arith.cmpi sgt, %reduce_min3A_186, %sign3A : i32
      %sign3A_189 = arith.extui %sign3A_188 : i1 to i32
      %sign3A_190 = arith.constant 0 : i32
      %sign3A_191 = arith.cmpi slt, %reduce_min3A_186, %sign3A_190 : i32
      %sign3A_192 = arith.extui %sign3A_191 : i1 to i32
      %sign3A_193 = arith.subi %sign3A_189, %sign3A_192 : i32
      %sign3A_194 = arith.constant 0 : i32
      %sign3A_195 = arith.cmpi sgt, %jit3A_187, %sign3A_194 : i32
      %sign3A_196 = arith.extui %sign3A_195 : i1 to i32
      %sign3A_197 = arith.constant 0 : i32
      %sign3A_198 = arith.cmpi slt, %jit3A_187, %sign3A_197 : i32
      %sign3A_199 = arith.extui %sign3A_198 : i1 to i32
      %sign3A_200 = arith.subi %sign3A_196, %sign3A_199 : i32
      %ne3A_201 = arith.cmpi ne, %sign3A_193, %sign3A_200 : i32
      %rem3A = arith.remsi %reduce_min3A_186, %jit3A_187 : i32
      %ne3A_202 = arith.constant 0 : i32
      %ne3A_203 = arith.cmpi ne, %rem3A, %ne3A_202 : i32
      %and3A_204 = arith.andi %ne3A_201, %ne3A_203 : i1
      %sub3A_205 = arith.constant 1 : i32
      %sub3A_206 = arith.subi %div3A, %sub3A_205 : i32
      %select_n3A_207 = arith.select %and3A_204, %sub3A_206, %div3A : i32
      %rem3A_208 = arith.constant 128 : i32
      %rem3A_209 = arith.remsi %reduce_min3A_186, %rem3A_208 : i32
      %eq3A_210 = vector.broadcast %rem3A_209 : i32 to vector<1x128xi32>
      %eq3A_211 = arith.cmpi eq, %iota3A_40, %eq3A_210 : vector<1x128xi32>
      %get3A_212 = arith.constant 0 : i32
      %get3A_213 = arith.constant 0 : i32
      %get3A_214 = tpu.memref_slice %arg0[%while3A_48, %get3A_212, %get3A_213] : memref<6x272x128xf32, #tpu.memory_space<vmem>> -> memref<1x272x128xf32, #tpu.memory_space<vmem>>
      %get3A_215 = tpu.memref_squeeze %get3A_214 : memref<1x272x128xf32, #tpu.memory_space<vmem>> -> memref<272x128xf32, #tpu.memory_space<vmem>>
      %get3A_216 = arith.index_cast %select_n3A_207 : i32 to index
      %get3A_217 = arith.constant 0 : index
      %get3A_218 = vector.load %get3A_215[%get3A_216, %get3A_217] : memref<272x128xf32, #tpu.memory_space<vmem>>, vector<1x128xf32>
      %broadcast_in_dim3A_219 = vector.broadcast %while3A_49 : f32 to vector<1x128xf32>
      %select_n3A_220 = arith.select %eq3A_211, %get3A_218, %broadcast_in_dim3A_219 : vector<1x128xi1>, vector<1x128xf32>
      %reduce_sum3A_221 = vector.shape_cast %select_n3A_220 : vector<1x128xf32> to vector<1x1x128xf32>
      %reduce_sum3A_222 = arith.constant dense<0.000000e+00> : vector<1xf32>
      %reduce_sum3A_223 = vector.multi_reduction <add>, %reduce_sum3A_221, %reduce_sum3A_222 [1, 2] : vector<1x1x128xf32> to vector<1xf32>
      %reduce_sum3A_224 = vector.shape_cast %reduce_sum3A_223 : vector<1xf32> to vector<1x1x1xf32>
      %reduce_sum3A_225 = vector.extract %reduce_sum3A_224[0, 0, 0] : f32 from vector<1x1x1xf32>
      %jit3A_226 = arith.constant 128 : i32
      %div3A_227 = arith.divsi %reduce_min3A_186, %jit3A_226 : i32
      %sign3A_228 = arith.constant 0 : i32
      %sign3A_229 = arith.cmpi sgt, %reduce_min3A_186, %sign3A_228 : i32
      %sign3A_230 = arith.extui %sign3A_229 : i1 to i32
      %sign3A_231 = arith.constant 0 : i32
      %sign3A_232 = arith.cmpi slt, %reduce_min3A_186, %sign3A_231 : i32
      %sign3A_233 = arith.extui %sign3A_232 : i1 to i32
      %sign3A_234 = arith.subi %sign3A_230, %sign3A_233 : i32
      %sign3A_235 = arith.constant 0 : i32
      %sign3A_236 = arith.cmpi sgt, %jit3A_226, %sign3A_235 : i32
      %sign3A_237 = arith.extui %sign3A_236 : i1 to i32
      %sign3A_238 = arith.constant 0 : i32
      %sign3A_239 = arith.cmpi slt, %jit3A_226, %sign3A_238 : i32
      %sign3A_240 = arith.extui %sign3A_239 : i1 to i32
      %sign3A_241 = arith.subi %sign3A_237, %sign3A_240 : i32
      %ne3A_242 = arith.cmpi ne, %sign3A_234, %sign3A_241 : i32
      %rem3A_243 = arith.remsi %reduce_min3A_186, %jit3A_226 : i32
      %ne3A_244 = arith.constant 0 : i32
      %ne3A_245 = arith.cmpi ne, %rem3A_243, %ne3A_244 : i32
      %and3A_246 = arith.andi %ne3A_242, %ne3A_245 : i1
      %sub3A_247 = arith.constant 1 : i32
      %sub3A_248 = arith.subi %div3A_227, %sub3A_247 : i32
      %select_n3A_249 = arith.select %and3A_246, %sub3A_248, %div3A_227 : i32
      %rem3A_250 = arith.constant 128 : i32
      %rem3A_251 = arith.remsi %reduce_min3A_186, %rem3A_250 : i32
      %eq3A_252 = vector.broadcast %rem3A_251 : i32 to vector<1x128xi32>
      %eq3A_253 = arith.cmpi eq, %iota3A_40, %eq3A_252 : vector<1x128xi32>
      %get3A_254 = arith.constant 0 : i32
      %get3A_255 = arith.constant 0 : i32
      %get3A_256 = tpu.memref_slice %arg0[%while3A_50, %get3A_254, %get3A_255] : memref<6x272x128xf32, #tpu.memory_space<vmem>> -> memref<1x272x128xf32, #tpu.memory_space<vmem>>
      %get3A_257 = tpu.memref_squeeze %get3A_256 : memref<1x272x128xf32, #tpu.memory_space<vmem>> -> memref<272x128xf32, #tpu.memory_space<vmem>>
      %get3A_258 = arith.index_cast %select_n3A_249 : i32 to index
      %get3A_259 = arith.constant 0 : index
      %get3A_260 = vector.load %get3A_257[%get3A_258, %get3A_259] : memref<272x128xf32, #tpu.memory_space<vmem>>, vector<1x128xf32>
      %broadcast_in_dim3A_261 = vector.broadcast %while3A_49 : f32 to vector<1x128xf32>
      %select_n3A_262 = arith.select %eq3A_253, %get3A_260, %broadcast_in_dim3A_261 : vector<1x128xi1>, vector<1x128xf32>
      %reduce_sum3A_263 = vector.shape_cast %select_n3A_262 : vector<1x128xf32> to vector<1x1x128xf32>
      %reduce_sum3A_264 = arith.constant dense<0.000000e+00> : vector<1xf32>
      %reduce_sum3A_265 = vector.multi_reduction <add>, %reduce_sum3A_263, %reduce_sum3A_264 [1, 2] : vector<1x1x128xf32> to vector<1xf32>
      %reduce_sum3A_266 = vector.shape_cast %reduce_sum3A_265 : vector<1xf32> to vector<1x1x1xf32>
      %reduce_sum3A_267 = vector.extract %reduce_sum3A_266[0, 0, 0] : f32 from vector<1x1x1xf32>
      %jit3A_268 = arith.constant 128 : i32
      %div3A_269 = arith.divsi %reduce_min3A_186, %jit3A_268 : i32
      %sign3A_270 = arith.constant 0 : i32
      %sign3A_271 = arith.cmpi sgt, %reduce_min3A_186, %sign3A_270 : i32
      %sign3A_272 = arith.extui %sign3A_271 : i1 to i32
      %sign3A_273 = arith.constant 0 : i32
      %sign3A_274 = arith.cmpi slt, %reduce_min3A_186, %sign3A_273 : i32
      %sign3A_275 = arith.extui %sign3A_274 : i1 to i32
      %sign3A_276 = arith.subi %sign3A_272, %sign3A_275 : i32
      %sign3A_277 = arith.constant 0 : i32
      %sign3A_278 = arith.cmpi sgt, %jit3A_268, %sign3A_277 : i32
      %sign3A_279 = arith.extui %sign3A_278 : i1 to i32
      %sign3A_280 = arith.constant 0 : i32
      %sign3A_281 = arith.cmpi slt, %jit3A_268, %sign3A_280 : i32
      %sign3A_282 = arith.extui %sign3A_281 : i1 to i32
      %sign3A_283 = arith.subi %sign3A_279, %sign3A_282 : i32
      %ne3A_284 = arith.cmpi ne, %sign3A_276, %sign3A_283 : i32
      %rem3A_285 = arith.remsi %reduce_min3A_186, %jit3A_268 : i32
      %ne3A_286 = arith.constant 0 : i32
      %ne3A_287 = arith.cmpi ne, %rem3A_285, %ne3A_286 : i32
      %and3A_288 = arith.andi %ne3A_284, %ne3A_287 : i1
      %sub3A_289 = arith.constant 1 : i32
      %sub3A_290 = arith.subi %div3A_269, %sub3A_289 : i32
      %select_n3A_291 = arith.select %and3A_288, %sub3A_290, %div3A_269 : i32
      %rem3A_292 = arith.constant 128 : i32
      %rem3A_293 = arith.remsi %reduce_min3A_186, %rem3A_292 : i32
      %eq3A_294 = vector.broadcast %rem3A_293 : i32 to vector<1x128xi32>
      %eq3A_295 = arith.cmpi eq, %iota3A_40, %eq3A_294 : vector<1x128xi32>
      %get3A_296 = arith.constant 0 : i32
      %get3A_297 = arith.constant 0 : i32
      %get3A_298 = tpu.memref_slice %arg0[%while3A_51, %get3A_296, %get3A_297] : memref<6x272x128xf32, #tpu.memory_space<vmem>> -> memref<1x272x128xf32, #tpu.memory_space<vmem>>
      %get3A_299 = tpu.memref_squeeze %get3A_298 : memref<1x272x128xf32, #tpu.memory_space<vmem>> -> memref<272x128xf32, #tpu.memory_space<vmem>>
      %get3A_300 = arith.index_cast %select_n3A_291 : i32 to index
      %get3A_301 = arith.constant 0 : index
      %get3A_302 = vector.load %get3A_299[%get3A_300, %get3A_301] : memref<272x128xf32, #tpu.memory_space<vmem>>, vector<1x128xf32>
      %broadcast_in_dim3A_303 = vector.broadcast %while3A_49 : f32 to vector<1x128xf32>
      %select_n3A_304 = arith.select %eq3A_295, %get3A_302, %broadcast_in_dim3A_303 : vector<1x128xi1>, vector<1x128xf32>
      %reduce_sum3A_305 = vector.shape_cast %select_n3A_304 : vector<1x128xf32> to vector<1x1x128xf32>
      %reduce_sum3A_306 = arith.constant dense<0.000000e+00> : vector<1xf32>
      %reduce_sum3A_307 = vector.multi_reduction <add>, %reduce_sum3A_305, %reduce_sum3A_306 [1, 2] : vector<1x1x128xf32> to vector<1xf32>
      %reduce_sum3A_308 = vector.shape_cast %reduce_sum3A_307 : vector<1xf32> to vector<1x1x1xf32>
      %reduce_sum3A_309 = vector.extract %reduce_sum3A_308[0, 0, 0] : f32 from vector<1x1x1xf32>
      %jit3A_310 = arith.constant 128 : i32
      %div3A_311 = arith.divsi %reduce_min3A_186, %jit3A_310 : i32
      %sign3A_312 = arith.constant 0 : i32
      %sign3A_313 = arith.cmpi sgt, %reduce_min3A_186, %sign3A_312 : i32
      %sign3A_314 = arith.extui %sign3A_313 : i1 to i32
      %sign3A_315 = arith.constant 0 : i32
      %sign3A_316 = arith.cmpi slt, %reduce_min3A_186, %sign3A_315 : i32
      %sign3A_317 = arith.extui %sign3A_316 : i1 to i32
      %sign3A_318 = arith.subi %sign3A_314, %sign3A_317 : i32
      %sign3A_319 = arith.constant 0 : i32
      %sign3A_320 = arith.cmpi sgt, %jit3A_310, %sign3A_319 : i32
      %sign3A_321 = arith.extui %sign3A_320 : i1 to i32
      %sign3A_322 = arith.constant 0 : i32
      %sign3A_323 = arith.cmpi slt, %jit3A_310, %sign3A_322 : i32
      %sign3A_324 = arith.extui %sign3A_323 : i1 to i32
      %sign3A_325 = arith.subi %sign3A_321, %sign3A_324 : i32
      %ne3A_326 = arith.cmpi ne, %sign3A_318, %sign3A_325 : i32
      %rem3A_327 = arith.remsi %reduce_min3A_186, %jit3A_310 : i32
      %ne3A_328 = arith.constant 0 : i32
      %ne3A_329 = arith.cmpi ne, %rem3A_327, %ne3A_328 : i32
      %and3A_330 = arith.andi %ne3A_326, %ne3A_329 : i1
      %sub3A_331 = arith.constant 1 : i32
      %sub3A_332 = arith.subi %div3A_311, %sub3A_331 : i32
      %select_n3A_333 = arith.select %and3A_330, %sub3A_332, %div3A_311 : i32
      %rem3A_334 = arith.constant 128 : i32
      %rem3A_335 = arith.remsi %reduce_min3A_186, %rem3A_334 : i32
      %eq3A_336 = vector.broadcast %rem3A_335 : i32 to vector<1x128xi32>
      %eq3A_337 = arith.cmpi eq, %iota3A_40, %eq3A_336 : vector<1x128xi32>
      %get3A_338 = arith.constant 0 : i32
      %get3A_339 = arith.constant 0 : i32
      %get3A_340 = tpu.memref_slice %arg0[%while3A_52, %get3A_338, %get3A_339] : memref<6x272x128xf32, #tpu.memory_space<vmem>> -> memref<1x272x128xf32, #tpu.memory_space<vmem>>
      %get3A_341 = tpu.memref_squeeze %get3A_340 : memref<1x272x128xf32, #tpu.memory_space<vmem>> -> memref<272x128xf32, #tpu.memory_space<vmem>>
      %get3A_342 = arith.index_cast %select_n3A_333 : i32 to index
      %get3A_343 = arith.constant 0 : index
      %get3A_344 = vector.load %get3A_341[%get3A_342, %get3A_343] : memref<272x128xf32, #tpu.memory_space<vmem>>, vector<1x128xf32>
      %broadcast_in_dim3A_345 = vector.broadcast %while3A_49 : f32 to vector<1x128xf32>
      %select_n3A_346 = arith.select %eq3A_337, %get3A_344, %broadcast_in_dim3A_345 : vector<1x128xi1>, vector<1x128xf32>
      %reduce_sum3A_347 = vector.shape_cast %select_n3A_346 : vector<1x128xf32> to vector<1x1x128xf32>
      %reduce_sum3A_348 = arith.constant dense<0.000000e+00> : vector<1xf32>
      %reduce_sum3A_349 = vector.multi_reduction <add>, %reduce_sum3A_347, %reduce_sum3A_348 [1, 2] : vector<1x1x128xf32> to vector<1xf32>
      %reduce_sum3A_350 = vector.shape_cast %reduce_sum3A_349 : vector<1xf32> to vector<1x1x1xf32>
      %reduce_sum3A_351 = vector.extract %reduce_sum3A_350[0, 0, 0] : f32 from vector<1x1x1xf32>
      %jit3A_352 = arith.constant 128 : i32
      %div3A_353 = arith.divsi %reduce_min3A_186, %jit3A_352 : i32
      %sign3A_354 = arith.constant 0 : i32
      %sign3A_355 = arith.cmpi sgt, %reduce_min3A_186, %sign3A_354 : i32
      %sign3A_356 = arith.extui %sign3A_355 : i1 to i32
      %sign3A_357 = arith.constant 0 : i32
      %sign3A_358 = arith.cmpi slt, %reduce_min3A_186, %sign3A_357 : i32
      %sign3A_359 = arith.extui %sign3A_358 : i1 to i32
      %sign3A_360 = arith.subi %sign3A_356, %sign3A_359 : i32
      %sign3A_361 = arith.constant 0 : i32
      %sign3A_362 = arith.cmpi sgt, %jit3A_352, %sign3A_361 : i32
      %sign3A_363 = arith.extui %sign3A_362 : i1 to i32
      %sign3A_364 = arith.constant 0 : i32
      %sign3A_365 = arith.cmpi slt, %jit3A_352, %sign3A_364 : i32
      %sign3A_366 = arith.extui %sign3A_365 : i1 to i32
      %sign3A_367 = arith.subi %sign3A_363, %sign3A_366 : i32
      %ne3A_368 = arith.cmpi ne, %sign3A_360, %sign3A_367 : i32
      %rem3A_369 = arith.remsi %reduce_min3A_186, %jit3A_352 : i32
      %ne3A_370 = arith.constant 0 : i32
      %ne3A_371 = arith.cmpi ne, %rem3A_369, %ne3A_370 : i32
      %and3A_372 = arith.andi %ne3A_368, %ne3A_371 : i1
      %sub3A_373 = arith.constant 1 : i32
      %sub3A_374 = arith.subi %div3A_353, %sub3A_373 : i32
      %select_n3A_375 = arith.select %and3A_372, %sub3A_374, %div3A_353 : i32
      %rem3A_376 = arith.constant 128 : i32
      %rem3A_377 = arith.remsi %reduce_min3A_186, %rem3A_376 : i32
      %eq3A_378 = vector.broadcast %rem3A_377 : i32 to vector<1x128xi32>
      %eq3A_379 = arith.cmpi eq, %iota3A_40, %eq3A_378 : vector<1x128xi32>
      %get3A_380 = arith.constant 0 : i32
      %get3A_381 = arith.constant 0 : i32
      %get3A_382 = tpu.memref_slice %arg0[%while3A_53, %get3A_380, %get3A_381] : memref<6x272x128xf32, #tpu.memory_space<vmem>> -> memref<1x272x128xf32, #tpu.memory_space<vmem>>
      %get3A_383 = tpu.memref_squeeze %get3A_382 : memref<1x272x128xf32, #tpu.memory_space<vmem>> -> memref<272x128xf32, #tpu.memory_space<vmem>>
      %get3A_384 = arith.index_cast %select_n3A_375 : i32 to index
      %get3A_385 = arith.constant 0 : index
      %get3A_386 = vector.load %get3A_383[%get3A_384, %get3A_385] : memref<272x128xf32, #tpu.memory_space<vmem>>, vector<1x128xf32>
      %broadcast_in_dim3A_387 = vector.broadcast %while3A_49 : f32 to vector<1x128xf32>
      %select_n3A_388 = arith.select %eq3A_379, %get3A_386, %broadcast_in_dim3A_387 : vector<1x128xi1>, vector<1x128xf32>
      %reduce_sum3A_389 = vector.shape_cast %select_n3A_388 : vector<1x128xf32> to vector<1x1x128xf32>
      %reduce_sum3A_390 = arith.constant dense<0.000000e+00> : vector<1xf32>
      %reduce_sum3A_391 = vector.multi_reduction <add>, %reduce_sum3A_389, %reduce_sum3A_390 [1, 2] : vector<1x1x128xf32> to vector<1xf32>
      %reduce_sum3A_392 = vector.shape_cast %reduce_sum3A_391 : vector<1xf32> to vector<1x1x1xf32>
      %reduce_sum3A_393 = vector.extract %reduce_sum3A_392[0, 0, 0] : f32 from vector<1x1x1xf32>
      %eq3A_394 = vector.broadcast %reduce_min3A_186 : i32 to vector<272x128xi32>
      %eq3A_395 = arith.cmpi eq, %add3A, %eq3A_394 : vector<272x128xi32>
      %broadcast_in_dim3A_396 = vector.broadcast %while3A_54 : i32 to vector<272x128xi32>
      %select_n3A_397 = arith.select %eq3A_395, %broadcast_in_dim3A_396, %get3A_177 : vector<272x128xi1>, vector<272x128xi32>
      %reduce_max3A_398 = vector.shape_cast %select_n3A_397 : vector<272x128xi32> to vector<1x272x128xi32>
      %reduce_max3A_399 = arith.constant dense<-2147483648> : vector<1xi32>
      %reduce_max3A_400 = vector.multi_reduction <maxsi>, %reduce_max3A_398, %reduce_max3A_399 [1, 2] : vector<1x272x128xi32> to vector<1xi32>
      %reduce_max3A_401 = vector.shape_cast %reduce_max3A_400 : vector<1xi32> to vector<1x1x1xi32>
      %reduce_max3A_402 = vector.extract %reduce_max3A_401[0, 0, 0] : i32 from vector<1x1x1xi32>
      %gt3A_403 = arith.cmpi sgt, %reduce_max3A_402, %while3A_54 : i32
      %eq3A_404 = vector.broadcast %reduce_max3A_402 : i32 to vector<272x128xi32>
      %eq3A_405 = arith.cmpi eq, %select_n3A_397, %eq3A_404 : vector<272x128xi32>
      %jit3A_406 = arith.constant 34816 : i32
      %broadcast_in_dim3A_407 = vector.broadcast %jit3A_406 : i32 to vector<272x128xi32>
      %select_n3A_408 = arith.select %eq3A_405, %add3A, %broadcast_in_dim3A_407 : vector<272x128xi1>, vector<272x128xi32>
      %reduce_min3A_409 = vector.shape_cast %select_n3A_408 : vector<272x128xi32> to vector<1x272x128xi32>
      %reduce_min3A_410 = arith.constant dense<2147483647> : vector<1xi32>
      %reduce_min3A_411 = vector.multi_reduction <minsi>, %reduce_min3A_409, %reduce_min3A_410 [1, 2] : vector<1x272x128xi32> to vector<1xi32>
      %reduce_min3A_412 = vector.shape_cast %reduce_min3A_411 : vector<1xi32> to vector<1x1x1xi32>
      %reduce_min3A_413 = vector.extract %reduce_min3A_412[0, 0, 0] : i32 from vector<1x1x1xi32>
      %eq3A_414 = arith.constant 34816 : i32
      %eq3A_415 = arith.cmpi eq, %reduce_min3A_413, %eq3A_414 : i32
      %jit3A_416 = arith.constant 0 : i32
      %select_n3A_417 = arith.select %eq3A_415, %jit3A_416, %reduce_min3A_413 : i32
      %jit3A_418 = arith.constant 128 : i32
      %div3A_419 = arith.divsi %select_n3A_417, %jit3A_418 : i32
      %sign3A_420 = arith.constant 0 : i32
      %sign3A_421 = arith.cmpi sgt, %select_n3A_417, %sign3A_420 : i32
      %sign3A_422 = arith.extui %sign3A_421 : i1 to i32
      %sign3A_423 = arith.constant 0 : i32
      %sign3A_424 = arith.cmpi slt, %select_n3A_417, %sign3A_423 : i32
      %sign3A_425 = arith.extui %sign3A_424 : i1 to i32
      %sign3A_426 = arith.subi %sign3A_422, %sign3A_425 : i32
      %sign3A_427 = arith.constant 0 : i32
      %sign3A_428 = arith.cmpi sgt, %jit3A_418, %sign3A_427 : i32
      %sign3A_429 = arith.extui %sign3A_428 : i1 to i32
      %sign3A_430 = arith.constant 0 : i32
      %sign3A_431 = arith.cmpi slt, %jit3A_418, %sign3A_430 : i32
      %sign3A_432 = arith.extui %sign3A_431 : i1 to i32
      %sign3A_433 = arith.subi %sign3A_429, %sign3A_432 : i32
      %ne3A_434 = arith.cmpi ne, %sign3A_426, %sign3A_433 : i32
      %rem3A_435 = arith.remsi %select_n3A_417, %jit3A_418 : i32
      %ne3A_436 = arith.constant 0 : i32
      %ne3A_437 = arith.cmpi ne, %rem3A_435, %ne3A_436 : i32
      %and3A_438 = arith.andi %ne3A_434, %ne3A_437 : i1
      %sub3A_439 = arith.constant 1 : i32
      %sub3A_440 = arith.subi %div3A_419, %sub3A_439 : i32
      %select_n3A_441 = arith.select %and3A_438, %sub3A_440, %div3A_419 : i32
      %rem3A_442 = arith.constant 128 : i32
      %rem3A_443 = arith.remsi %select_n3A_417, %rem3A_442 : i32
      %eq3A_444 = vector.broadcast %rem3A_443 : i32 to vector<1x128xi32>
      %eq3A_445 = arith.cmpi eq, %iota3A_40, %eq3A_444 : vector<1x128xi32>
      %get3A_446 = arith.constant 0 : i32
      %get3A_447 = arith.constant 0 : i32
      %get3A_448 = tpu.memref_slice %arg0[%while3A_48, %get3A_446, %get3A_447] : memref<6x272x128xf32, #tpu.memory_space<vmem>> -> memref<1x272x128xf32, #tpu.memory_space<vmem>>
      %get3A_449 = tpu.memref_squeeze %get3A_448 : memref<1x272x128xf32, #tpu.memory_space<vmem>> -> memref<272x128xf32, #tpu.memory_space<vmem>>
      %get3A_450 = arith.index_cast %select_n3A_441 : i32 to index
      %get3A_451 = arith.constant 0 : index
      %get3A_452 = vector.load %get3A_449[%get3A_450, %get3A_451] : memref<272x128xf32, #tpu.memory_space<vmem>>, vector<1x128xf32>
      %broadcast_in_dim3A_453 = vector.broadcast %while3A_49 : f32 to vector<1x128xf32>
      %select_n3A_454 = arith.select %eq3A_445, %get3A_452, %broadcast_in_dim3A_453 : vector<1x128xi1>, vector<1x128xf32>
      %reduce_sum3A_455 = vector.shape_cast %select_n3A_454 : vector<1x128xf32> to vector<1x1x128xf32>
      %reduce_sum3A_456 = arith.constant dense<0.000000e+00> : vector<1xf32>
      %reduce_sum3A_457 = vector.multi_reduction <add>, %reduce_sum3A_455, %reduce_sum3A_456 [1, 2] : vector<1x1x128xf32> to vector<1xf32>
      %reduce_sum3A_458 = vector.shape_cast %reduce_sum3A_457 : vector<1xf32> to vector<1x1x1xf32>
      %reduce_sum3A_459 = vector.extract %reduce_sum3A_458[0, 0, 0] : f32 from vector<1x1x1xf32>
      %jit3A_460 = arith.constant 128 : i32
      %div3A_461 = arith.divsi %select_n3A_417, %jit3A_460 : i32
      %sign3A_462 = arith.constant 0 : i32
      %sign3A_463 = arith.cmpi sgt, %select_n3A_417, %sign3A_462 : i32
      %sign3A_464 = arith.extui %sign3A_463 : i1 to i32
      %sign3A_465 = arith.constant 0 : i32
      %sign3A_466 = arith.cmpi slt, %select_n3A_417, %sign3A_465 : i32
      %sign3A_467 = arith.extui %sign3A_466 : i1 to i32
      %sign3A_468 = arith.subi %sign3A_464, %sign3A_467 : i32
      %sign3A_469 = arith.constant 0 : i32
      %sign3A_470 = arith.cmpi sgt, %jit3A_460, %sign3A_469 : i32
      %sign3A_471 = arith.extui %sign3A_470 : i1 to i32
      %sign3A_472 = arith.constant 0 : i32
      %sign3A_473 = arith.cmpi slt, %jit3A_460, %sign3A_472 : i32
      %sign3A_474 = arith.extui %sign3A_473 : i1 to i32
      %sign3A_475 = arith.subi %sign3A_471, %sign3A_474 : i32
      %ne3A_476 = arith.cmpi ne, %sign3A_468, %sign3A_475 : i32
      %rem3A_477 = arith.remsi %select_n3A_417, %jit3A_460 : i32
      %ne3A_478 = arith.constant 0 : i32
      %ne3A_479 = arith.cmpi ne, %rem3A_477, %ne3A_478 : i32
      %and3A_480 = arith.andi %ne3A_476, %ne3A_479 : i1
      %sub3A_481 = arith.constant 1 : i32
      %sub3A_482 = arith.subi %div3A_461, %sub3A_481 : i32
      %select_n3A_483 = arith.select %and3A_480, %sub3A_482, %div3A_461 : i32
      %rem3A_484 = arith.constant 128 : i32
      %rem3A_485 = arith.remsi %select_n3A_417, %rem3A_484 : i32
      %eq3A_486 = vector.broadcast %rem3A_485 : i32 to vector<1x128xi32>
      %eq3A_487 = arith.cmpi eq, %iota3A_40, %eq3A_486 : vector<1x128xi32>
      %get3A_488 = arith.constant 0 : i32
      %get3A_489 = arith.constant 0 : i32
      %get3A_490 = tpu.memref_slice %arg0[%while3A_50, %get3A_488, %get3A_489] : memref<6x272x128xf32, #tpu.memory_space<vmem>> -> memref<1x272x128xf32, #tpu.memory_space<vmem>>
      %get3A_491 = tpu.memref_squeeze %get3A_490 : memref<1x272x128xf32, #tpu.memory_space<vmem>> -> memref<272x128xf32, #tpu.memory_space<vmem>>
      %get3A_492 = arith.index_cast %select_n3A_483 : i32 to index
      %get3A_493 = arith.constant 0 : index
      %get3A_494 = vector.load %get3A_491[%get3A_492, %get3A_493] : memref<272x128xf32, #tpu.memory_space<vmem>>, vector<1x128xf32>
      %broadcast_in_dim3A_495 = vector.broadcast %while3A_49 : f32 to vector<1x128xf32>
      %select_n3A_496 = arith.select %eq3A_487, %get3A_494, %broadcast_in_dim3A_495 : vector<1x128xi1>, vector<1x128xf32>
      %reduce_sum3A_497 = vector.shape_cast %select_n3A_496 : vector<1x128xf32> to vector<1x1x128xf32>
      %reduce_sum3A_498 = arith.constant dense<0.000000e+00> : vector<1xf32>
      %reduce_sum3A_499 = vector.multi_reduction <add>, %reduce_sum3A_497, %reduce_sum3A_498 [1, 2] : vector<1x1x128xf32> to vector<1xf32>
      %reduce_sum3A_500 = vector.shape_cast %reduce_sum3A_499 : vector<1xf32> to vector<1x1x1xf32>
      %reduce_sum3A_501 = vector.extract %reduce_sum3A_500[0, 0, 0] : f32 from vector<1x1x1xf32>
      %jit3A_502 = arith.constant 128 : i32
      %div3A_503 = arith.divsi %select_n3A_417, %jit3A_502 : i32
      %sign3A_504 = arith.constant 0 : i32
      %sign3A_505 = arith.cmpi sgt, %select_n3A_417, %sign3A_504 : i32
      %sign3A_506 = arith.extui %sign3A_505 : i1 to i32
      %sign3A_507 = arith.constant 0 : i32
      %sign3A_508 = arith.cmpi slt, %select_n3A_417, %sign3A_507 : i32
      %sign3A_509 = arith.extui %sign3A_508 : i1 to i32
      %sign3A_510 = arith.subi %sign3A_506, %sign3A_509 : i32
      %sign3A_511 = arith.constant 0 : i32
      %sign3A_512 = arith.cmpi sgt, %jit3A_502, %sign3A_511 : i32
      %sign3A_513 = arith.extui %sign3A_512 : i1 to i32
      %sign3A_514 = arith.constant 0 : i32
      %sign3A_515 = arith.cmpi slt, %jit3A_502, %sign3A_514 : i32
      %sign3A_516 = arith.extui %sign3A_515 : i1 to i32
      %sign3A_517 = arith.subi %sign3A_513, %sign3A_516 : i32
      %ne3A_518 = arith.cmpi ne, %sign3A_510, %sign3A_517 : i32
      %rem3A_519 = arith.remsi %select_n3A_417, %jit3A_502 : i32
      %ne3A_520 = arith.constant 0 : i32
      %ne3A_521 = arith.cmpi ne, %rem3A_519, %ne3A_520 : i32
      %and3A_522 = arith.andi %ne3A_518, %ne3A_521 : i1
      %sub3A_523 = arith.constant 1 : i32
      %sub3A_524 = arith.subi %div3A_503, %sub3A_523 : i32
      %select_n3A_525 = arith.select %and3A_522, %sub3A_524, %div3A_503 : i32
      %rem3A_526 = arith.constant 128 : i32
      %rem3A_527 = arith.remsi %select_n3A_417, %rem3A_526 : i32
      %eq3A_528 = vector.broadcast %rem3A_527 : i32 to vector<1x128xi32>
      %eq3A_529 = arith.cmpi eq, %iota3A_40, %eq3A_528 : vector<1x128xi32>
      %get3A_530 = arith.constant 0 : i32
      %get3A_531 = arith.constant 0 : i32
      %get3A_532 = tpu.memref_slice %arg0[%while3A_51, %get3A_530, %get3A_531] : memref<6x272x128xf32, #tpu.memory_space<vmem>> -> memref<1x272x128xf32, #tpu.memory_space<vmem>>
      %get3A_533 = tpu.memref_squeeze %get3A_532 : memref<1x272x128xf32, #tpu.memory_space<vmem>> -> memref<272x128xf32, #tpu.memory_space<vmem>>
      %get3A_534 = arith.index_cast %select_n3A_525 : i32 to index
      %get3A_535 = arith.constant 0 : index
      %get3A_536 = vector.load %get3A_533[%get3A_534, %get3A_535] : memref<272x128xf32, #tpu.memory_space<vmem>>, vector<1x128xf32>
      %broadcast_in_dim3A_537 = vector.broadcast %while3A_49 : f32 to vector<1x128xf32>
      %select_n3A_538 = arith.select %eq3A_529, %get3A_536, %broadcast_in_dim3A_537 : vector<1x128xi1>, vector<1x128xf32>
      %reduce_sum3A_539 = vector.shape_cast %select_n3A_538 : vector<1x128xf32> to vector<1x1x128xf32>
      %reduce_sum3A_540 = arith.constant dense<0.000000e+00> : vector<1xf32>
      %reduce_sum3A_541 = vector.multi_reduction <add>, %reduce_sum3A_539, %reduce_sum3A_540 [1, 2] : vector<1x1x128xf32> to vector<1xf32>
      %reduce_sum3A_542 = vector.shape_cast %reduce_sum3A_541 : vector<1xf32> to vector<1x1x1xf32>
      %reduce_sum3A_543 = vector.extract %reduce_sum3A_542[0, 0, 0] : f32 from vector<1x1x1xf32>
      %jit3A_544 = arith.constant 128 : i32
      %div3A_545 = arith.divsi %select_n3A_417, %jit3A_544 : i32
      %sign3A_546 = arith.constant 0 : i32
      %sign3A_547 = arith.cmpi sgt, %select_n3A_417, %sign3A_546 : i32
      %sign3A_548 = arith.extui %sign3A_547 : i1 to i32
      %sign3A_549 = arith.constant 0 : i32
      %sign3A_550 = arith.cmpi slt, %select_n3A_417, %sign3A_549 : i32
      %sign3A_551 = arith.extui %sign3A_550 : i1 to i32
      %sign3A_552 = arith.subi %sign3A_548, %sign3A_551 : i32
      %sign3A_553 = arith.constant 0 : i32
      %sign3A_554 = arith.cmpi sgt, %jit3A_544, %sign3A_553 : i32
      %sign3A_555 = arith.extui %sign3A_554 : i1 to i32
      %sign3A_556 = arith.constant 0 : i32
      %sign3A_557 = arith.cmpi slt, %jit3A_544, %sign3A_556 : i32
      %sign3A_558 = arith.extui %sign3A_557 : i1 to i32
      %sign3A_559 = arith.subi %sign3A_555, %sign3A_558 : i32
      %ne3A_560 = arith.cmpi ne, %sign3A_552, %sign3A_559 : i32
      %rem3A_561 = arith.remsi %select_n3A_417, %jit3A_544 : i32
      %ne3A_562 = arith.constant 0 : i32
      %ne3A_563 = arith.cmpi ne, %rem3A_561, %ne3A_562 : i32
      %and3A_564 = arith.andi %ne3A_560, %ne3A_563 : i1
      %sub3A_565 = arith.constant 1 : i32
      %sub3A_566 = arith.subi %div3A_545, %sub3A_565 : i32
      %select_n3A_567 = arith.select %and3A_564, %sub3A_566, %div3A_545 : i32
      %rem3A_568 = arith.constant 128 : i32
      %rem3A_569 = arith.remsi %select_n3A_417, %rem3A_568 : i32
      %eq3A_570 = vector.broadcast %rem3A_569 : i32 to vector<1x128xi32>
      %eq3A_571 = arith.cmpi eq, %iota3A_40, %eq3A_570 : vector<1x128xi32>
      %get3A_572 = arith.constant 0 : i32
      %get3A_573 = arith.constant 0 : i32
      %get3A_574 = tpu.memref_slice %arg0[%while3A_52, %get3A_572, %get3A_573] : memref<6x272x128xf32, #tpu.memory_space<vmem>> -> memref<1x272x128xf32, #tpu.memory_space<vmem>>
      %get3A_575 = tpu.memref_squeeze %get3A_574 : memref<1x272x128xf32, #tpu.memory_space<vmem>> -> memref<272x128xf32, #tpu.memory_space<vmem>>
      %get3A_576 = arith.index_cast %select_n3A_567 : i32 to index
      %get3A_577 = arith.constant 0 : index
      %get3A_578 = vector.load %get3A_575[%get3A_576, %get3A_577] : memref<272x128xf32, #tpu.memory_space<vmem>>, vector<1x128xf32>
      %broadcast_in_dim3A_579 = vector.broadcast %while3A_49 : f32 to vector<1x128xf32>
      %select_n3A_580 = arith.select %eq3A_571, %get3A_578, %broadcast_in_dim3A_579 : vector<1x128xi1>, vector<1x128xf32>
      %reduce_sum3A_581 = vector.shape_cast %select_n3A_580 : vector<1x128xf32> to vector<1x1x128xf32>
      %reduce_sum3A_582 = arith.constant dense<0.000000e+00> : vector<1xf32>
      %reduce_sum3A_583 = vector.multi_reduction <add>, %reduce_sum3A_581, %reduce_sum3A_582 [1, 2] : vector<1x1x128xf32> to vector<1xf32>
      %reduce_sum3A_584 = vector.shape_cast %reduce_sum3A_583 : vector<1xf32> to vector<1x1x1xf32>
      %reduce_sum3A_585 = vector.extract %reduce_sum3A_584[0, 0, 0] : f32 from vector<1x1x1xf32>
      %jit3A_586 = arith.constant 128 : i32
      %div3A_587 = arith.divsi %select_n3A_417, %jit3A_586 : i32
      %sign3A_588 = arith.constant 0 : i32
      %sign3A_589 = arith.cmpi sgt, %select_n3A_417, %sign3A_588 : i32
      %sign3A_590 = arith.extui %sign3A_589 : i1 to i32
      %sign3A_591 = arith.constant 0 : i32
      %sign3A_592 = arith.cmpi slt, %select_n3A_417, %sign3A_591 : i32
      %sign3A_593 = arith.extui %sign3A_592 : i1 to i32
      %sign3A_594 = arith.subi %sign3A_590, %sign3A_593 : i32
      %sign3A_595 = arith.constant 0 : i32
      %sign3A_596 = arith.cmpi sgt, %jit3A_586, %sign3A_595 : i32
      %sign3A_597 = arith.extui %sign3A_596 : i1 to i32
      %sign3A_598 = arith.constant 0 : i32
      %sign3A_599 = arith.cmpi slt, %jit3A_586, %sign3A_598 : i32
      %sign3A_600 = arith.extui %sign3A_599 : i1 to i32
      %sign3A_601 = arith.subi %sign3A_597, %sign3A_600 : i32
      %ne3A_602 = arith.cmpi ne, %sign3A_594, %sign3A_601 : i32
      %rem3A_603 = arith.remsi %select_n3A_417, %jit3A_586 : i32
      %ne3A_604 = arith.constant 0 : i32
      %ne3A_605 = arith.cmpi ne, %rem3A_603, %ne3A_604 : i32
      %and3A_606 = arith.andi %ne3A_602, %ne3A_605 : i1
      %sub3A_607 = arith.constant 1 : i32
      %sub3A_608 = arith.subi %div3A_587, %sub3A_607 : i32
      %select_n3A_609 = arith.select %and3A_606, %sub3A_608, %div3A_587 : i32
      %rem3A_610 = arith.constant 128 : i32
      %rem3A_611 = arith.remsi %select_n3A_417, %rem3A_610 : i32
      %eq3A_612 = vector.broadcast %rem3A_611 : i32 to vector<1x128xi32>
      %eq3A_613 = arith.cmpi eq, %iota3A_40, %eq3A_612 : vector<1x128xi32>
      %get3A_614 = arith.constant 0 : i32
      %get3A_615 = arith.constant 0 : i32
      %get3A_616 = tpu.memref_slice %arg0[%while3A_53, %get3A_614, %get3A_615] : memref<6x272x128xf32, #tpu.memory_space<vmem>> -> memref<1x272x128xf32, #tpu.memory_space<vmem>>
      %get3A_617 = tpu.memref_squeeze %get3A_616 : memref<1x272x128xf32, #tpu.memory_space<vmem>> -> memref<272x128xf32, #tpu.memory_space<vmem>>
      %get3A_618 = arith.index_cast %select_n3A_609 : i32 to index
      %get3A_619 = arith.constant 0 : index
      %get3A_620 = vector.load %get3A_617[%get3A_618, %get3A_619] : memref<272x128xf32, #tpu.memory_space<vmem>>, vector<1x128xf32>
      %broadcast_in_dim3A_621 = vector.broadcast %while3A_49 : f32 to vector<1x128xf32>
      %select_n3A_622 = arith.select %eq3A_613, %get3A_620, %broadcast_in_dim3A_621 : vector<1x128xi1>, vector<1x128xf32>
      %reduce_sum3A_623 = vector.shape_cast %select_n3A_622 : vector<1x128xf32> to vector<1x1x128xf32>
      %reduce_sum3A_624 = arith.constant dense<0.000000e+00> : vector<1xf32>
      %reduce_sum3A_625 = vector.multi_reduction <add>, %reduce_sum3A_623, %reduce_sum3A_624 [1, 2] : vector<1x1x128xf32> to vector<1xf32>
      %reduce_sum3A_626 = vector.shape_cast %reduce_sum3A_625 : vector<1xf32> to vector<1x1x1xf32>
      %reduce_sum3A_627 = vector.extract %reduce_sum3A_626[0, 0, 0] : f32 from vector<1x1x1xf32>
      %min3A = arith.minimumf %reduce_sum3A_309, %reduce_sum3A_543 : f32
      %max3A = arith.maximumf %reduce_sum3A_225, %reduce_sum3A_459 : f32
      %sub3A_628 = arith.subf %min3A, %max3A : f32
      %add3A_629 = arith.constant 1.000000e+00 : f32
      %add3A_630 = arith.addf %sub3A_628, %add3A_629 : f32
      %max3A_631 = arith.constant 0.000000e+00 : f32
      %max3A_632 = arith.maximumf %max3A_631, %add3A_630 : f32
      %min3A_633 = arith.minimumf %reduce_sum3A_351, %reduce_sum3A_585 : f32
      %max3A_634 = arith.maximumf %reduce_sum3A_267, %reduce_sum3A_501 : f32
      %sub3A_635 = arith.subf %min3A_633, %max3A_634 : f32
      %add3A_636 = arith.constant 1.000000e+00 : f32
      %add3A_637 = arith.addf %sub3A_635, %add3A_636 : f32
      %max3A_638 = arith.constant 0.000000e+00 : f32
      %max3A_639 = arith.maximumf %max3A_638, %add3A_637 : f32
      %mul3A_640 = arith.mulf %max3A_632, %max3A_639 : f32
      %add3A_641 = arith.addf %reduce_sum3A_393, %reduce_sum3A_627 : f32
      %sub3A_642 = arith.subf %add3A_641, %mul3A_640 : f32
      %div3A_643 = arith.divf %mul3A_640, %sub3A_642 : f32
      %gt3A_644 = arith.constant 0.699999988 : f32
      %gt3A_645 = arith.cmpf ogt, %div3A_643, %gt3A_644 : f32
      %not3A = arith.constant true
      %not3A_646 = arith.xori %gt3A_645, %not3A : i1
      %and3A_647 = arith.andi %gt3A_403, %not3A_646 : i1
      %get3A_648 = arith.index_cast %while3A_51 : i32 to index
      %get3A_649 = arith.constant 0 : index
      %get3A_650 = arith.constant 0 : index
      %get3A_651 = vector.load %arg0[%get3A_648, %get3A_649, %get3A_650] : memref<6x272x128xf32, #tpu.memory_space<vmem>>, vector<1x272x128xf32>
      %get3A_652 = vector.shape_cast %get3A_651 : vector<1x272x128xf32> to vector<272x128xf32>
      %min3A_653 = vector.broadcast %reduce_sum3A_309 : f32 to vector<272x128xf32>
      %min3A_654 = arith.minimumf %min3A_653, %get3A_652 : vector<272x128xf32>
      %get3A_655 = arith.index_cast %while3A_48 : i32 to index
      %get3A_656 = arith.constant 0 : index
      %get3A_657 = arith.constant 0 : index
      %get3A_658 = vector.load %arg0[%get3A_655, %get3A_656, %get3A_657] : memref<6x272x128xf32, #tpu.memory_space<vmem>>, vector<1x272x128xf32>
      %get3A_659 = vector.shape_cast %get3A_658 : vector<1x272x128xf32> to vector<272x128xf32>
      %max3A_660 = vector.broadcast %reduce_sum3A_225 : f32 to vector<272x128xf32>
      %max3A_661 = arith.maximumf %max3A_660, %get3A_659 : vector<272x128xf32>
      %sub3A_662 = arith.subf %min3A_654, %max3A_661 : vector<272x128xf32>
      %add3A_663 = arith.constant 1.000000e+00 : f32
      %add3A_664 = vector.broadcast %add3A_663 : f32 to vector<272x128xf32>
      %add3A_665 = arith.addf %sub3A_662, %add3A_664 : vector<272x128xf32>
      %max3A_666 = arith.constant 0.000000e+00 : f32
      %max3A_667 = vector.broadcast %max3A_666 : f32 to vector<272x128xf32>
      %max3A_668 = arith.maximumf %max3A_667, %add3A_665 : vector<272x128xf32>
      %get3A_669 = arith.index_cast %while3A_52 : i32 to index
      %get3A_670 = arith.constant 0 : index
      %get3A_671 = arith.constant 0 : index
      %get3A_672 = vector.load %arg0[%get3A_669, %get3A_670, %get3A_671] : memref<6x272x128xf32, #tpu.memory_space<vmem>>, vector<1x272x128xf32>
      %get3A_673 = vector.shape_cast %get3A_672 : vector<1x272x128xf32> to vector<272x128xf32>
      %min3A_674 = vector.broadcast %reduce_sum3A_351 : f32 to vector<272x128xf32>
      %min3A_675 = arith.minimumf %min3A_674, %get3A_673 : vector<272x128xf32>
      %get3A_676 = arith.index_cast %while3A_50 : i32 to index
      %get3A_677 = arith.constant 0 : index
      %get3A_678 = arith.constant 0 : index
      %get3A_679 = vector.load %arg0[%get3A_676, %get3A_677, %get3A_678] : memref<6x272x128xf32, #tpu.memory_space<vmem>>, vector<1x272x128xf32>
      %get3A_680 = vector.shape_cast %get3A_679 : vector<1x272x128xf32> to vector<272x128xf32>
      %max3A_681 = vector.broadcast %reduce_sum3A_267 : f32 to vector<272x128xf32>
      %max3A_682 = arith.maximumf %max3A_681, %get3A_680 : vector<272x128xf32>
      %sub3A_683 = arith.subf %min3A_675, %max3A_682 : vector<272x128xf32>
      %add3A_684 = arith.constant 1.000000e+00 : f32
      %add3A_685 = vector.broadcast %add3A_684 : f32 to vector<272x128xf32>
      %add3A_686 = arith.addf %sub3A_683, %add3A_685 : vector<272x128xf32>
      %max3A_687 = arith.constant 0.000000e+00 : f32
      %max3A_688 = vector.broadcast %max3A_687 : f32 to vector<272x128xf32>
      %max3A_689 = arith.maximumf %max3A_688, %add3A_686 : vector<272x128xf32>
      %mul3A_690 = arith.mulf %max3A_668, %max3A_689 : vector<272x128xf32>
      %get3A_691 = arith.index_cast %while3A_53 : i32 to index
      %get3A_692 = arith.constant 0 : index
      %get3A_693 = arith.constant 0 : index
      %get3A_694 = vector.load %arg0[%get3A_691, %get3A_692, %get3A_693] : memref<6x272x128xf32, #tpu.memory_space<vmem>>, vector<1x272x128xf32>
      %get3A_695 = vector.shape_cast %get3A_694 : vector<1x272x128xf32> to vector<272x128xf32>
      %add3A_696 = vector.broadcast %reduce_sum3A_393 : f32 to vector<272x128xf32>
      %add3A_697 = arith.addf %add3A_696, %get3A_695 : vector<272x128xf32>
      %sub3A_698 = arith.subf %add3A_697, %mul3A_690 : vector<272x128xf32>
      %div3A_699 = arith.divf %mul3A_690, %sub3A_698 : vector<272x128xf32>
      %get3A_700 = arith.index_cast %while3A_51 : i32 to index
      %get3A_701 = arith.constant 0 : index
      %get3A_702 = arith.constant 0 : index
      %get3A_703 = vector.load %arg0[%get3A_700, %get3A_701, %get3A_702] : memref<6x272x128xf32, #tpu.memory_space<vmem>>, vector<1x272x128xf32>
      %get3A_704 = vector.shape_cast %get3A_703 : vector<1x272x128xf32> to vector<272x128xf32>
      %min3A_705 = vector.broadcast %reduce_sum3A_543 : f32 to vector<272x128xf32>
      %min3A_706 = arith.minimumf %min3A_705, %get3A_704 : vector<272x128xf32>
      %get3A_707 = arith.index_cast %while3A_48 : i32 to index
      %get3A_708 = arith.constant 0 : index
      %get3A_709 = arith.constant 0 : index
      %get3A_710 = vector.load %arg0[%get3A_707, %get3A_708, %get3A_709] : memref<6x272x128xf32, #tpu.memory_space<vmem>>, vector<1x272x128xf32>
      %get3A_711 = vector.shape_cast %get3A_710 : vector<1x272x128xf32> to vector<272x128xf32>
      %max3A_712 = vector.broadcast %reduce_sum3A_459 : f32 to vector<272x128xf32>
      %max3A_713 = arith.maximumf %max3A_712, %get3A_711 : vector<272x128xf32>
      %sub3A_714 = arith.subf %min3A_706, %max3A_713 : vector<272x128xf32>
      %add3A_715 = arith.constant 1.000000e+00 : f32
      %add3A_716 = vector.broadcast %add3A_715 : f32 to vector<272x128xf32>
      %add3A_717 = arith.addf %sub3A_714, %add3A_716 : vector<272x128xf32>
      %max3A_718 = arith.constant 0.000000e+00 : f32
      %max3A_719 = vector.broadcast %max3A_718 : f32 to vector<272x128xf32>
      %max3A_720 = arith.maximumf %max3A_719, %add3A_717 : vector<272x128xf32>
      %get3A_721 = arith.index_cast %while3A_52 : i32 to index
      %get3A_722 = arith.constant 0 : index
      %get3A_723 = arith.constant 0 : index
      %get3A_724 = vector.load %arg0[%get3A_721, %get3A_722, %get3A_723] : memref<6x272x128xf32, #tpu.memory_space<vmem>>, vector<1x272x128xf32>
      %get3A_725 = vector.shape_cast %get3A_724 : vector<1x272x128xf32> to vector<272x128xf32>
      %min3A_726 = vector.broadcast %reduce_sum3A_585 : f32 to vector<272x128xf32>
      %min3A_727 = arith.minimumf %min3A_726, %get3A_725 : vector<272x128xf32>
      %get3A_728 = arith.index_cast %while3A_50 : i32 to index
      %get3A_729 = arith.constant 0 : index
      %get3A_730 = arith.constant 0 : index
      %get3A_731 = vector.load %arg0[%get3A_728, %get3A_729, %get3A_730] : memref<6x272x128xf32, #tpu.memory_space<vmem>>, vector<1x272x128xf32>
      %get3A_732 = vector.shape_cast %get3A_731 : vector<1x272x128xf32> to vector<272x128xf32>
      %max3A_733 = vector.broadcast %reduce_sum3A_501 : f32 to vector<272x128xf32>
      %max3A_734 = arith.maximumf %max3A_733, %get3A_732 : vector<272x128xf32>
      %sub3A_735 = arith.subf %min3A_727, %max3A_734 : vector<272x128xf32>
      %add3A_736 = arith.constant 1.000000e+00 : f32
      %add3A_737 = vector.broadcast %add3A_736 : f32 to vector<272x128xf32>
      %add3A_738 = arith.addf %sub3A_735, %add3A_737 : vector<272x128xf32>
      %max3A_739 = arith.constant 0.000000e+00 : f32
      %max3A_740 = vector.broadcast %max3A_739 : f32 to vector<272x128xf32>
      %max3A_741 = arith.maximumf %max3A_740, %add3A_738 : vector<272x128xf32>
      %mul3A_742 = arith.mulf %max3A_720, %max3A_741 : vector<272x128xf32>
      %get3A_743 = arith.index_cast %while3A_53 : i32 to index
      %get3A_744 = arith.constant 0 : index
      %get3A_745 = arith.constant 0 : index
      %get3A_746 = vector.load %arg0[%get3A_743, %get3A_744, %get3A_745] : memref<6x272x128xf32, #tpu.memory_space<vmem>>, vector<1x272x128xf32>
      %get3A_747 = vector.shape_cast %get3A_746 : vector<1x272x128xf32> to vector<272x128xf32>
      %add3A_748 = vector.broadcast %reduce_sum3A_627 : f32 to vector<272x128xf32>
      %add3A_749 = arith.addf %add3A_748, %get3A_747 : vector<272x128xf32>
      %sub3A_750 = arith.subf %add3A_749, %mul3A_742 : vector<272x128xf32>
      %div3A_751 = arith.divf %mul3A_742, %sub3A_750 : vector<272x128xf32>
      %gt3A_752 = arith.constant 0.699999988 : f32
      %gt3A_753 = vector.broadcast %gt3A_752 : f32 to vector<272x128xf32>
      %gt3A_754 = arith.cmpf ogt, %div3A_699, %gt3A_753 : vector<272x128xf32>
      %gt3A_755 = arith.constant 0.699999988 : f32
      %gt3A_756 = vector.broadcast %gt3A_755 : f32 to vector<272x128xf32>
      %gt3A_757 = arith.cmpf ogt, %div3A_751, %gt3A_756 : vector<272x128xf32>
      %and3A_758 = vector.broadcast %and3A_647 : i1 to vector<272x128xi1>
      %and3A_759 = arith.andi %and3A_758, %gt3A_757 : vector<272x128xi1>
      %or3A_760 = arith.ori %gt3A_754, %and3A_759 : vector<272x128xi1>
      %broadcast_in_dim3A_761 = vector.broadcast %while3A_54 : i32 to vector<272x128xi32>
      %select_n3A_762 = arith.select %or3A_760, %broadcast_in_dim3A_761, %get3A_177 : vector<272x128xi1>, vector<272x128xi32>
      %swap3A_763 = arith.constant 0 : index
      %swap3A_764 = arith.constant 0 : index
      %swap3A_765 = vector.load %arg2[%swap3A_763, %swap3A_764] : memref<272x128xi32, #tpu.memory_space<vmem>>, vector<272x128xi32>
      tpu.vector_store %arg2[%swap3A_763, %swap3A_764], %select_n3A_762 {strides = array<i32>} : memref<272x128xi32, #tpu.memory_space<vmem>>, vector<272x128xi32>,
      %broadcast_in_dim3A_766 = arith.constant 0.000000e+00 : f32
      %broadcast_in_dim3A_767 = vector.broadcast %broadcast_in_dim3A_766 : f32 to vector<1x128xf32>
      %eq3A_768 = arith.constant 1 : i32
      %eq3A_769 = vector.broadcast %eq3A_768 : i32 to vector<1x128xi32>
      %eq3A_770 = arith.cmpi eq, %iota3A_40, %eq3A_769 : vector<1x128xi32>
      %broadcast_in_dim3A_771 = vector.broadcast %reduce_sum3A_225 : f32 to vector<1x128xf32>
      %select_n3A_772 = arith.select %eq3A_770, %broadcast_in_dim3A_771, %broadcast_in_dim3A_767 : vector<1x128xi1>, vector<1x128xf32>
      %eq3A_773 = arith.constant 2 : i32
      %eq3A_774 = vector.broadcast %eq3A_773 : i32 to vector<1x128xi32>
      %eq3A_775 = arith.cmpi eq, %iota3A_40, %eq3A_774 : vector<1x128xi32>
      %broadcast_in_dim3A_776 = vector.broadcast %reduce_sum3A_267 : f32 to vector<1x128xf32>
      %select_n3A_777 = arith.select %eq3A_775, %broadcast_in_dim3A_776, %select_n3A_772 : vector<1x128xi1>, vector<1x128xf32>
      %eq3A_778 = arith.constant 3 : i32
      %eq3A_779 = vector.broadcast %eq3A_778 : i32 to vector<1x128xi32>
      %eq3A_780 = arith.cmpi eq, %iota3A_40, %eq3A_779 : vector<1x128xi32>
      %broadcast_in_dim3A_781 = vector.broadcast %reduce_sum3A_309 : f32 to vector<1x128xf32>
      %select_n3A_782 = arith.select %eq3A_780, %broadcast_in_dim3A_781, %select_n3A_777 : vector<1x128xi1>, vector<1x128xf32>
      %eq3A_783 = arith.constant 4 : i32
      %eq3A_784 = vector.broadcast %eq3A_783 : i32 to vector<1x128xi32>
      %eq3A_785 = arith.cmpi eq, %iota3A_40, %eq3A_784 : vector<1x128xi32>
      %broadcast_in_dim3A_786 = vector.broadcast %reduce_sum3A_351 : f32 to vector<1x128xf32>
      %select_n3A_787 = arith.select %eq3A_785, %broadcast_in_dim3A_786, %select_n3A_782 : vector<1x128xi1>, vector<1x128xf32>
      %swap3A_788 = arith.index_cast %while3A_173 : i32 to index
      %swap3A_789 = arith.constant 0 : index
      %swap3A_790 = vector.load %arg1[%swap3A_788, %swap3A_789] : memref<304x128xf32, #tpu.memory_space<vmem>>, vector<1x128xf32>
      tpu.vector_store %arg1[%swap3A_788, %swap3A_789], %select_n3A_787 {strides = array<i32>} : memref<304x128xf32, #tpu.memory_space<vmem>>, vector<1x128xf32>,
      %add3A_791 = arith.constant 1 : i32
      %add3A_792 = arith.addi %while3A_173, %add3A_791 : i32
      %get3A_793 = arith.index_cast %add3A_792 : i32 to index
      %get3A_794 = arith.constant 0 : index
      %get3A_795 = vector.load %arg1[%get3A_793, %get3A_794] : memref<304x128xf32, #tpu.memory_space<vmem>>, vector<1x128xf32>
      %broadcast_in_dim3A_796 = arith.constant 0.000000e+00 : f32
      %broadcast_in_dim3A_797 = vector.broadcast %broadcast_in_dim3A_796 : f32 to vector<1x128xf32>
      %eq3A_798 = arith.constant 1 : i32
      %eq3A_799 = vector.broadcast %eq3A_798 : i32 to vector<1x128xi32>
      %eq3A_800 = arith.cmpi eq, %iota3A_40, %eq3A_799 : vector<1x128xi32>
      %broadcast_in_dim3A_801 = vector.broadcast %reduce_sum3A_459 : f32 to vector<1x128xf32>
      %select_n3A_802 = arith.select %eq3A_800, %broadcast_in_dim3A_801, %broadcast_in_dim3A_797 : vector<1x128xi1>, vector<1x128xf32>
      %eq3A_803 = arith.constant 2 : i32
      %eq3A_804 = vector.broadcast %eq3A_803 : i32 to vector<1x128xi32>
      %eq3A_805 = arith.cmpi eq, %iota3A_40, %eq3A_804 : vector<1x128xi32>
      %broadcast_in_dim3A_806 = vector.broadcast %reduce_sum3A_501 : f32 to vector<1x128xf32>
      %select_n3A_807 = arith.select %eq3A_805, %broadcast_in_dim3A_806, %select_n3A_802 : vector<1x128xi1>, vector<1x128xf32>
      %eq3A_808 = arith.constant 3 : i32
      %eq3A_809 = vector.broadcast %eq3A_808 : i32 to vector<1x128xi32>
      %eq3A_810 = arith.cmpi eq, %iota3A_40, %eq3A_809 : vector<1x128xi32>
      %broadcast_in_dim3A_811 = vector.broadcast %reduce_sum3A_543 : f32 to vector<1x128xf32>
      %select_n3A_812 = arith.select %eq3A_810, %broadcast_in_dim3A_811, %select_n3A_807 : vector<1x128xi1>, vector<1x128xf32>
      %eq3A_813 = arith.constant 4 : i32
      %eq3A_814 = vector.broadcast %eq3A_813 : i32 to vector<1x128xi32>
      %eq3A_815 = arith.cmpi eq, %iota3A_40, %eq3A_814 : vector<1x128xi32>
      %broadcast_in_dim3A_816 = vector.broadcast %reduce_sum3A_585 : f32 to vector<1x128xf32>
      %select_n3A_817 = arith.select %eq3A_815, %broadcast_in_dim3A_816, %select_n3A_812 : vector<1x128xi1>, vector<1x128xf32>
      %select_n3A_818 = arith.select %and3A_647, %select_n3A_817, %get3A_795 : vector<1x128xf32>
      %add3A_819 = arith.constant 1 : i32
      %add3A_820 = arith.addi %while3A_173, %add3A_819 : i32
      %swap3A_821 = arith.index_cast %add3A_820 : i32 to index
      %swap3A_822 = arith.constant 0 : index
      %swap3A_823 = vector.load %arg1[%swap3A_821, %swap3A_822] : memref<304x128xf32, #tpu.memory_space<vmem>>, vector<1x128xf32>
      tpu.vector_store %arg1[%swap3A_821, %swap3A_822], %select_n3A_818 {strides = array<i32>} : memref<304x128xf32, #tpu.memory_space<vmem>>, vector<1x128xf32>,
      %add3A_824 = arith.constant 1 : i32
      %add3A_825 = arith.addi %while3A_173, %add3A_824 : i32
      %convert_element_type3A_826 = arith.extui %and3A_647 : i1 to i32
      %add3A_827 = arith.addi %add3A_825, %convert_element_type3A_826 : i32
      %reduce_max3A_828 = vector.shape_cast %select_n3A_762 : vector<272x128xi32> to vector<1x272x128xi32>
      %reduce_max3A_829 = arith.constant dense<-2147483648> : vector<1xi32>
      %reduce_max3A_830 = vector.multi_reduction <maxsi>, %reduce_max3A_828, %reduce_max3A_829 [1, 2] : vector<1x272x128xi32> to vector<1xi32>
      %reduce_max3A_831 = vector.shape_cast %reduce_max3A_830 : vector<1xi32> to vector<1x1x1xi32>
      %reduce_max3A_832 = vector.extract %reduce_max3A_831[0, 0, 0] : i32 from vector<1x1x1xi32>
      scf.yield %add3A_827, %reduce_max3A_832 : i32, i32
    }
    %eq3A_57 = arith.constant 0 : i32
    %eq3A_58 = vector.broadcast %eq3A_57 : i32 to vector<1x128xi32>
    %eq3A_59 = arith.cmpi eq, %iota3A_40, %eq3A_58 : vector<1x128xi32>
    %get3A_60 = arith.constant 0 : i32
    %get3A_61 = arith.constant 0 : i32
    %get3A_62 = arith.constant 0 : i32
    %get3A_63 = tpu.memref_slice %arg0[%get3A_60, %get3A_61, %get3A_62] : memref<6x272x128xf32, #tpu.memory_space<vmem>> -> memref<1x272x128xf32, #tpu.memory_space<vmem>>
    %get3A_64 = tpu.memref_squeeze %get3A_63 : memref<1x272x128xf32, #tpu.memory_space<vmem>> -> memref<272x128xf32, #tpu.memory_space<vmem>>
    %get3A_65 = arith.constant 0 : index
    %get3A_66 = arith.constant 0 : index
    %get3A_67 = vector.load %get3A_64[%get3A_65, %get3A_66] : memref<272x128xf32, #tpu.memory_space<vmem>>, vector<1x128xf32>
    %jit3A_68 = arith.constant 0.000000e+00 : f32
    %broadcast_in_dim3A_69 = vector.broadcast %jit3A_68 : f32 to vector<1x128xf32>
    %select_n3A_70 = arith.select %eq3A_59, %get3A_67, %broadcast_in_dim3A_69 : vector<1x128xi1>, vector<1x128xf32>
    %reduce_sum3A_71 = vector.shape_cast %select_n3A_70 : vector<1x128xf32> to vector<1x1x128xf32>
    %reduce_sum3A_72 = arith.constant dense<0.000000e+00> : vector<1xf32>
    %reduce_sum3A_73 = vector.multi_reduction <add>, %reduce_sum3A_71, %reduce_sum3A_72 [1, 2] : vector<1x1x128xf32> to vector<1xf32>
    %reduce_sum3A_74 = vector.shape_cast %reduce_sum3A_73 : vector<1xf32> to vector<1x1x1xf32>
    %reduce_sum3A_75 = vector.extract %reduce_sum3A_74[0, 0, 0] : f32 from vector<1x1x1xf32>
    %eq3A_76 = arith.constant 0 : i32
    %eq3A_77 = vector.broadcast %eq3A_76 : i32 to vector<1x128xi32>
    %eq3A_78 = arith.cmpi eq, %iota3A_40, %eq3A_77 : vector<1x128xi32>
    %get3A_79 = arith.constant 1 : i32
    %get3A_80 = arith.constant 0 : i32
    %get3A_81 = arith.constant 0 : i32
    %get3A_82 = tpu.memref_slice %arg0[%get3A_79, %get3A_80, %get3A_81] : memref<6x272x128xf32, #tpu.memory_space<vmem>> -> memref<1x272x128xf32, #tpu.memory_space<vmem>>
    %get3A_83 = tpu.memref_squeeze %get3A_82 : memref<1x272x128xf32, #tpu.memory_space<vmem>> -> memref<272x128xf32, #tpu.memory_space<vmem>>
    %get3A_84 = arith.constant 0 : index
    %get3A_85 = arith.constant 0 : index
    %get3A_86 = vector.load %get3A_83[%get3A_84, %get3A_85] : memref<272x128xf32, #tpu.memory_space<vmem>>, vector<1x128xf32>
    %jit3A_87 = arith.constant 0.000000e+00 : f32
    %broadcast_in_dim3A_88 = vector.broadcast %jit3A_87 : f32 to vector<1x128xf32>
    %select_n3A_89 = arith.select %eq3A_78, %get3A_86, %broadcast_in_dim3A_88 : vector<1x128xi1>, vector<1x128xf32>
    %reduce_sum3A_90 = vector.shape_cast %select_n3A_89 : vector<1x128xf32> to vector<1x1x128xf32>
    %reduce_sum3A_91 = arith.constant dense<0.000000e+00> : vector<1xf32>
    %reduce_sum3A_92 = vector.multi_reduction <add>, %reduce_sum3A_90, %reduce_sum3A_91 [1, 2] : vector<1x1x128xf32> to vector<1xf32>
    %reduce_sum3A_93 = vector.shape_cast %reduce_sum3A_92 : vector<1xf32> to vector<1x1x1xf32>
    %reduce_sum3A_94 = vector.extract %reduce_sum3A_93[0, 0, 0] : f32 from vector<1x1x1xf32>
    %eq3A_95 = arith.constant 0 : i32
    %eq3A_96 = vector.broadcast %eq3A_95 : i32 to vector<1x128xi32>
    %eq3A_97 = arith.cmpi eq, %iota3A_40, %eq3A_96 : vector<1x128xi32>
    %get3A_98 = arith.constant 2 : i32
    %get3A_99 = arith.constant 0 : i32
    %get3A_100 = arith.constant 0 : i32
    %get3A_101 = tpu.memref_slice %arg0[%get3A_98, %get3A_99, %get3A_100] : memref<6x272x128xf32, #tpu.memory_space<vmem>> -> memref<1x272x128xf32, #tpu.memory_space<vmem>>
    %get3A_102 = tpu.memref_squeeze %get3A_101 : memref<1x272x128xf32, #tpu.memory_space<vmem>> -> memref<272x128xf32, #tpu.memory_space<vmem>>
    %get3A_103 = arith.constant 0 : index
    %get3A_104 = arith.constant 0 : index
    %get3A_105 = vector.load %get3A_102[%get3A_103, %get3A_104] : memref<272x128xf32, #tpu.memory_space<vmem>>, vector<1x128xf32>
    %jit3A_106 = arith.constant 0.000000e+00 : f32
    %broadcast_in_dim3A_107 = vector.broadcast %jit3A_106 : f32 to vector<1x128xf32>
    %select_n3A_108 = arith.select %eq3A_97, %get3A_105, %broadcast_in_dim3A_107 : vector<1x128xi1>, vector<1x128xf32>
    %reduce_sum3A_109 = vector.shape_cast %select_n3A_108 : vector<1x128xf32> to vector<1x1x128xf32>
    %reduce_sum3A_110 = arith.constant dense<0.000000e+00> : vector<1xf32>
    %reduce_sum3A_111 = vector.multi_reduction <add>, %reduce_sum3A_109, %reduce_sum3A_110 [1, 2] : vector<1x1x128xf32> to vector<1xf32>
    %reduce_sum3A_112 = vector.shape_cast %reduce_sum3A_111 : vector<1xf32> to vector<1x1x1xf32>
    %reduce_sum3A_113 = vector.extract %reduce_sum3A_112[0, 0, 0] : f32 from vector<1x1x1xf32>
    %eq3A_114 = arith.constant 0 : i32
    %eq3A_115 = vector.broadcast %eq3A_114 : i32 to vector<1x128xi32>
    %eq3A_116 = arith.cmpi eq, %iota3A_40, %eq3A_115 : vector<1x128xi32>
    %get3A_117 = arith.constant 3 : i32
    %get3A_118 = arith.constant 0 : i32
    %get3A_119 = arith.constant 0 : i32
    %get3A_120 = tpu.memref_slice %arg0[%get3A_117, %get3A_118, %get3A_119] : memref<6x272x128xf32, #tpu.memory_space<vmem>> -> memref<1x272x128xf32, #tpu.memory_space<vmem>>
    %get3A_121 = tpu.memref_squeeze %get3A_120 : memref<1x272x128xf32, #tpu.memory_space<vmem>> -> memref<272x128xf32, #tpu.memory_space<vmem>>
    %get3A_122 = arith.constant 0 : index
    %get3A_123 = arith.constant 0 : index
    %get3A_124 = vector.load %get3A_121[%get3A_122, %get3A_123] : memref<272x128xf32, #tpu.memory_space<vmem>>, vector<1x128xf32>
    %jit3A_125 = arith.constant 0.000000e+00 : f32
    %broadcast_in_dim3A_126 = vector.broadcast %jit3A_125 : f32 to vector<1x128xf32>
    %select_n3A_127 = arith.select %eq3A_116, %get3A_124, %broadcast_in_dim3A_126 : vector<1x128xi1>, vector<1x128xf32>
    %reduce_sum3A_128 = vector.shape_cast %select_n3A_127 : vector<1x128xf32> to vector<1x1x128xf32>
    %reduce_sum3A_129 = arith.constant dense<0.000000e+00> : vector<1xf32>
    %reduce_sum3A_130 = vector.multi_reduction <add>, %reduce_sum3A_128, %reduce_sum3A_129 [1, 2] : vector<1x1x128xf32> to vector<1xf32>
    %reduce_sum3A_131 = vector.shape_cast %reduce_sum3A_130 : vector<1xf32> to vector<1x1x1xf32>
    %reduce_sum3A_132 = vector.extract %reduce_sum3A_131[0, 0, 0] : f32 from vector<1x1x1xf32>
    %broadcast_in_dim3A_133 = arith.constant 0.000000e+00 : f32
    %broadcast_in_dim3A_134 = vector.broadcast %broadcast_in_dim3A_133 : f32 to vector<1x128xf32>
    %eq3A_135 = arith.constant 1 : i32
    %eq3A_136 = vector.broadcast %eq3A_135 : i32 to vector<1x128xi32>
    %eq3A_137 = arith.cmpi eq, %iota3A_40, %eq3A_136 : vector<1x128xi32>
    %broadcast_in_dim3A_138 = vector.broadcast %reduce_sum3A_75 : f32 to vector<1x128xf32>
    %select_n3A_139 = arith.select %eq3A_137, %broadcast_in_dim3A_138, %broadcast_in_dim3A_134 : vector<1x128xi1>, vector<1x128xf32>
    %eq3A_140 = arith.constant 2 : i32
    %eq3A_141 = vector.broadcast %eq3A_140 : i32 to vector<1x128xi32>
    %eq3A_142 = arith.cmpi eq, %iota3A_40, %eq3A_141 : vector<1x128xi32>
    %broadcast_in_dim3A_143 = vector.broadcast %reduce_sum3A_94 : f32 to vector<1x128xf32>
    %select_n3A_144 = arith.select %eq3A_142, %broadcast_in_dim3A_143, %select_n3A_139 : vector<1x128xi1>, vector<1x128xf32>
    %eq3A_145 = arith.constant 3 : i32
    %eq3A_146 = vector.broadcast %eq3A_145 : i32 to vector<1x128xi32>
    %eq3A_147 = arith.cmpi eq, %iota3A_40, %eq3A_146 : vector<1x128xi32>
    %broadcast_in_dim3A_148 = vector.broadcast %reduce_sum3A_113 : f32 to vector<1x128xf32>
    %select_n3A_149 = arith.select %eq3A_147, %broadcast_in_dim3A_148, %select_n3A_144 : vector<1x128xi1>, vector<1x128xf32>
    %eq3A_150 = arith.constant 4 : i32
    %eq3A_151 = vector.broadcast %eq3A_150 : i32 to vector<1x128xi32>
    %eq3A_152 = arith.cmpi eq, %iota3A_40, %eq3A_151 : vector<1x128xi32>
    %broadcast_in_dim3A_153 = vector.broadcast %reduce_sum3A_132 : f32 to vector<1x128xf32>
    %select_n3A_154 = arith.select %eq3A_152, %broadcast_in_dim3A_153, %select_n3A_149 : vector<1x128xi1>, vector<1x128xf32>
    %eq3A_155 = arith.constant 0 : i32
    %eq3A_156 = arith.cmpi eq, %while3A_56#0, %eq3A_155 : i32
    %get3A_157 = arith.constant 0 : index
    %get3A_158 = arith.constant 0 : index
    %get3A_159 = vector.load %arg1[%get3A_157, %get3A_158] : memref<304x128xf32, #tpu.memory_space<vmem>>, vector<1x128xf32>
    %select_n3A_160 = arith.select %eq3A_156, %select_n3A_154, %get3A_159 : vector<1x128xf32>
    %while3A_161 = arith.constant 300 : i32
    %while3A_162 = arith.constant 0 : i32
    %while3A_163 = arith.subi %while3A_161, %while3A_56#0 : i32
    %while3A_164 = arith.addi %while3A_56#0, %while3A_163 : i32
    %while3A_165 = arith.constant 1 : i32
    %while3A_166 = arith.divsi %while3A_163, %while3A_165 : i32
    %while3A_167 = arith.muli %while3A_166, %while3A_165 : i32
    %while3A_168 = arith.addi %while3A_56#0, %while3A_167 : i32
    %while3A_169 = arith.constant 1 : i32
    %while3A_170 = scf.for %while3A_173 = %while3A_56#0 to %while3A_168 step %while3A_169 iter_args(%while3A_174 = %while3A_162) -> (i32)  : i32 {
      %swap3A_175 = arith.index_cast %while3A_173 : i32 to index
      %swap3A_176 = arith.constant 0 : index
      %swap3A_177 = vector.load %arg1[%swap3A_175, %swap3A_176] : memref<304x128xf32, #tpu.memory_space<vmem>>, vector<1x128xf32>
      tpu.vector_store %arg1[%swap3A_175, %swap3A_176], %select_n3A_160 {strides = array<i32>} : memref<304x128xf32, #tpu.memory_space<vmem>>, vector<1x128xf32>,
      %while3A_178 = arith.constant 0 : i32
      scf.yield %while3A_178 : i32
    }
    %while3A_171 = arith.constant 1 : i32
    %while3A_172 = scf.for %while3A_173 = %while3A_168 to %while3A_164 step %while3A_171 iter_args(%while3A_174 = %while3A_170) -> (i32)  : i32 {
      %swap3A_175 = arith.index_cast %while3A_173 : i32 to index
      %swap3A_176 = arith.constant 0 : index
      %swap3A_177 = vector.load %arg1[%swap3A_175, %swap3A_176] : memref<304x128xf32, #tpu.memory_space<vmem>>, vector<1x128xf32>
      tpu.vector_store %arg1[%swap3A_175, %swap3A_176], %select_n3A_160 {strides = array<i32>} : memref<304x128xf32, #tpu.memory_space<vmem>>, vector<1x128xf32>,
      %while3A_178 = arith.constant 0 : i32
      scf.yield %while3A_178 : i32
    }
    return
  }
}

</mosaic_0001>

<sc_bundles>
// kernel: kernel.4.cloned.1.call-start
scs
__scs_entry_jumppad:
0x0: {  	(pc) =	sbr.rel $0x88, $3  }
0x1: {  	(tag) =	ssettag $0x0;
	lr =	simm.s32 $0x1  }
0x2: {  	[smem:$0x3F9E] =	sst lr;
	_ =	strace $0xD0000000  }
0x3: {  	_ = 	snop  }
0x4: {  	_ = 	snop  }
0x5: {  	_ = 	snop  }
0x6: {  	_ = 	snop  }
0x7: {  	_ = 	snop  }
__scs_overlays_trampoline_lowered:
0x8: {  	[smem:$0x3FAD] =	sst s0  }
0x9: {  	[smem:$0x3FAE] =	sst s1  }
0xa: {  	[smem:$0x3FAF] =	sst s2  }
0xb: {  	[smem:$0x3FB0] =	sst s3  }
0xc: {  	[smem:$0x3FB1] =	sst s4  }
0xd: {  	[smem:$0x3FB2] =	sst s5  }
0xe: {  	[smem:$0x3FB3] =	sst s6  }
0xf: {  	[smem:$0x3FB4] =	sst s7  }
0x10: {  	[smem:$0x3FB5] =	sst s8  }
0x11: {  	[smem:$0x3FB6] =	sst s9;
	s0 =	simm.s32 @!p0 $0x0  }
0x12: {  	s1 =	sld [smem:$0x3F9C];
	s0 =	simm.s32 @p0 $0x1  }
0x13: {  	[smem:$0x3FB7] =	sst s0;
	s0 =	simm.s32 @!p1 $0x0  }
0x14: {  	s2 =	sld [smem:$0x3F9B];
	s0 =	simm.s32 @p1 $0x1  }
0x15: {  	[smem:$0x3FB8] =	sst s0;
	s0 =	simm.s32 @!p2 $0x0  }
0x16: {  	s3 =	sld [smem:$0x3FDB];
	s0 =	simm.s32 @p2 $0x1  }
0x17: {  	s4 =	simm.s32 $0x1BF5;
	[smem:$0x3FBA] =	sst s0  }
0x18: {  	s0 =	sld [smem:$0x3F9D];
	_ =	swait.ge [sflag:s4], $0x0  }
0x19: {  	s7 =	sld [smem:$0x3F9E]  }
0x1a: {  	s8 =	sadd.s32 $0xFFFFE003, lr  }
0x1b: {  	s9 =	sadd.s32 $0xFFFFFEF7, lr;
	s5 =	simm.s32 $0xFFFFFFFF;
	p2 =	slt.u32 s8, $0xFFFFF086  }
0x1c: {  	p1 =	slt.u32 s9, $0xF7A;
	s5 =	simm.s32 @!p2 $0x0  }
0x1d: {  	s5 =	simm.s32 @p1 $0x1;
	p0 =	seq.s32 s7, s2  }
0x1e: {  	s7 =	smul.u32 @!p0 $0xF7A, s2;
	p2 =	seq.s32 @!p0 s5, $0x0  }
0x1f: {  	s9 =	smul.u32 $0xF7A, s1;
	s8 =	simm.s32 @!p0 $0x1BF5;
	p2 =	por !p2, p0  }
0x20: {  	[sflag:s8] =	ssyncset.s32 @!p0 $0xFFFFF086;
	s6 =	sadd.s32 @!p0 s3, s7;
	s7 =	simm.s32 @!p0 $0x108  }
0x21: {  	s3 =	sadd.s32 s3, s9;
	s6 =	sadd.s32 @!p0 $0x88, s6;
	s7 =	simm.s32 @p2 $0x1082  }
0x22: {  	[simem:s7], [sflag:s8] =	dma.local @!p0 [hbm:s6], $0xF7A  }
0x23: {  	s9 =	sor.u32 $0xD0000000, s2;
	s6 =	simm.s32 $0x108;
	_ =	swait.ge @!p0 [sflag:s8], $0x0  }
0x24: {  	s3 =	sadd.s32 $0x88, s3;
	s6 =	simm.s32 @!p1 $0x1082;
	[sflag:s4] =	ssyncset.s32 $0xFFFFF086  }
0x25: {  	[simem:s6], [sflag:s4] =	dma.local [hbm:s3], $0xF7A  }
0x26: {  	[smem:$0x3F9E] =	sst s1;
	(tag) =	ssettag s2;
	_ =	strace s9  }
0x27: {  	s1 =	sld [smem:$0x3FAE]  }
0x28: {  	s2 =	sld [smem:$0x3FAF]  }
0x29: {  	s4 =	sld [smem:$0x3FB1]  }
0x2a: {  	p0 =	seq.s32 s5, $0x0;
	s5 =	sld [smem:$0x3FB2]  }
0x2b: {  	s6 =	sld [smem:$0x3FB3]  }
0x2c: {  	s7 =	sld [smem:$0x3FB4]  }
0x2d: {  	s3 =	simm.s32 $0x108;
	s8 =	sld [smem:$0x3FB5]  }
0x2e: {  	s3 =	simm.s32 @!p0 $0x1082;
	s9 =	sld [smem:$0x3FB6]  }
0x2f: {  	lr =	sadd.s32 s0, s3;
	s0 =	sld [smem:$0x3FAD]  }
0x30: {  	s3 =	sld [smem:$0x3FB0]  }
0x31: {  	[smem:$0x3FB9] =	sst s10  }
0x32: {  	s10 =	sld [smem:$0x3FB7];
	_ =	sdelay $0x3  }
0x33: {  	p0 =	seq.s32 s10, $0x1;
	s10 =	sld [smem:$0x3FB9];
	_ =	sdelay $0x3  }
0x34: {  	[smem:$0x3FB9] =	sst s10  }
0x35: {  	s10 =	sld [smem:$0x3FB8];
	_ =	sdelay $0x3  }
0x36: {  	p1 =	seq.s32 s10, $0x1;
	s10 =	sld [smem:$0x3FB9];
	_ =	sdelay $0x3  }
0x37: {  	[smem:$0x3FB9] =	sst s10  }
0x38: {  	s10 =	sld [smem:$0x3FBA]  }
0x39: {  	_ = 	snop;
	(pc) =	sbr.ind lr, $3  }
0x3a: {  	_ = 	snop  }
0x3b: {  	_ = 	snop  }
0x3c: {  	p2 =	seq.s32 s10, $0x1;
	s10 =	sld [smem:$0x3FB9]  }
0x3d: {  	_ =	shalt  }
0x3e: {  	_ =	shalt  }
0x3f: {  	_ =	shalt  }
0x40: {  	_ =	shalt  }
0x41: {  	_ =	shalt  }
0x42: {  	_ =	shalt  }
0x43: {  	_ =	shalt  }
0x44: {  	_ =	shalt  }
0x45: {  	_ =	shalt  }
0x46: {  	_ =	shalt  }
0x47: {  	_ =	shalt  }
0x48: {  	_ =	shalt  }
0x49: {  	_ =	shalt  }
0x4a: {  	_ =	shalt  }
0x4b: {  	_ =	shalt  }
0x4c: {  	_ =	shalt  }
0x4d: {  	_ =	shalt  }
0x4e: {  	_ =	shalt  }
0x4f: {  	_ =	shalt  }
0x50: {  	_ =	shalt  }
0x51: {  	_ =	shalt  }
0x52: {  	_ =	shalt  }
0x53: {  	_ =	shalt  }
0x54: {  	_ =	shalt  }
0x55: {  	_ =	shalt  }
0x56: {  	_ =	shalt  }
0x57: {  	_ =	shalt  }
0x58: {  	_ =	shalt  }
0x59: {  	_ =	shalt  }
0x5a: {  	_ =	shalt  }
0x5b: {  	_ =	shalt  }
0x5c: {  	_ =	shalt  }
0x5d: {  	_ =	shalt  }
0x5e: {  	_ =	shalt  }
0x5f: {  	_ =	shalt  }
0x60: {  	_ =	shalt  }
0x61: {  	_ =	shalt  }
0x62: {  	_ =	shalt  }
0x63: {  	_ =	shalt  }
0x64: {  	_ =	shalt  }
0x65: {  	_ =	shalt  }
0x66: {  	_ =	shalt  }
0x67: {  	_ =	shalt  }
0x68: {  	_ =	shalt  }
0x69: {  	_ =	shalt  }
0x6a: {  	_ =	shalt  }
0x6b: {  	_ =	shalt  }
0x6c: {  	_ =	shalt  }
0x6d: {  	_ =	shalt  }
0x6e: {  	_ =	shalt  }
0x6f: {  	_ =	shalt  }
0x70: {  	_ =	shalt  }
0x71: {  	_ =	shalt  }
0x72: {  	_ =	shalt  }
0x73: {  	_ =	shalt  }
0x74: {  	_ =	shalt  }
0x75: {  	_ =	shalt  }
0x76: {  	_ =	shalt  }
0x77: {  	_ =	shalt  }
0x78: {  	_ =	shalt  }
0x79: {  	_ =	shalt  }
0x7a: {  	_ =	shalt  }
0x7b: {  	_ =	shalt  }
0x7c: {  	_ =	shalt  }
0x7d: {  	_ =	shalt  }
0x7e: {  	_ =	shalt  }
0x7f: {  	_ =	shalt  }
0x80: {  	_ =	shalt  }
0x81: {  	_ =	shalt  }
0x82: {  	_ =	shalt  }
0x83: {  	_ =	shalt  }
0x84: {  	_ =	shalt  }
0x85: {  	_ =	shalt  }
0x86: {  	_ =	shalt  }
0x87: {  	_ =	shalt  }
.Lfunc_end0:
.L_simem_size_0:
called_computation_lowered:
.L_overlay_start_0:
0x88: {  	s2 =	sld [smem:$0x3FD9]  }
0x89: {  	s3 =	sld [smem:$0x3FFE];
	_ =	sdelay $0x1  }
0x8a: {  	s1 =	srdreg.scid  }
0x8b: {  	s0 =	sand.u32 $0x1, s1  }
0x8c: {  	s17 =	sshll.u32 s0, $0xA;
	s2 =	sadd.s32 s3, s2  }
0x8d: {  	s2 =	sadd.s32 s2, s17  }
0x8e: {  	[smem:$0x3FC5] =	sst s2  }
0x8f: {  	_ = 	snop  }
0x90: {  	s2 =	sld [smem:$0x3FD0];
	(tm) =	ssettm $0x1  }
0x91: {  	s18 =	sld [smem:$0x3FFB];
	_ =	sdelay $0x3  }
0x92: {  	_ =	strace s18  }
0x93: {  	s3 =	sld [smem:$0x3FFC];
	_ =	sdelay $0x3  }
0x94: {  	_ =	strace s3  }
0x95: {  	s3 =	sld [smem:$0x3FFD];
	_ =	sdelay $0x3  }
0x96: {  	_ =	strace s3  }
0x97: {  	_ =	strace $0x8FFFFFFF  }
0x98: {  	s19 =	sld [smem:$0x3FDB];
	_ =	sdelay $0x1  }
0x99: {  	s4 =	simm.s32 $_scs_section_size  }
0x9a: {  	s5 =	simm.s32 $_size__tile_overlayer_lowered;
	s6 =	simm.s32 $_tile_overlayer_lowered  }
0x9b: {  	s22 =	simm.s32 $0x1BFF;
	s21 =	sshll.u32 s6, $0x1;
	s3 =	sadd.s32 s4, s19  }
0x9c: {  	s7 =	simm.s32 $0x0;
	s20 =	sshll.u32 s5, $0x1;
	s5 =	sadd.s32 s21, s3  }
0x9d: {  	[timem:s7], [sflag:s22] =	dma.local [hbm:s5], s20  }
0x9e: {  	_ =	swait.ge [sflag:s22], s20  }
0x9f: {  	s4 =	ssub.s32 $0x0, s20;
	[sflag:s22] =	ssyncset.done $0x0  }
0xa0: {  	[sflag:s22] =	ssyncadd.s32 s4;
	_ =	sdelay $0x1  }
0xa1: {  	s23 =	simm.s32 $0x1B8B  }
0xa2: {  	_ =	swait.ge [sflag:s23], $0x1  }
0xa3: {  	[sflag:s23] =	ssyncset.done $0x0  }
0xa4: {  	s25 =	simm.s32 $0x1B8E;
	s24 =	sld [smem:$0x3FFE];
	[sflag:s23] =	ssyncadd.s32 $0xFFFFFFFF  }
0xa5: {  	s26 =	simm.s32 $execute0_lowered;
	[smem:$0x3FD2] =	sst s25  }
0xa6: {  	s5 =	sshll.u32 s26, $0x1;
	_ =	strace $0x80000046;
	[dreg:$0x1] =	wrdreg $0xFFFFFFFF  }
0xa7: {  	s28 =	simm.s32 $_size_execute0_lowered;
	s3 =	sadd.s32 s3, s5;
	[dreg:$0x0] =	wrdreg $0x0  }
0xa8: {  	s5 =	sshll.u32 s28, $0x1;
	[dreg:$0x2] =	wrdreg s3  }
0xa9: {  	[dreg:$0x3] =	wrdreg s5  }
0xaa: {  	[dreg:$0x4] =	wrdreg $0xC0  }
0xab: {  	_ =	task [dreg:s7], $0x5FFFF  }
0xac: {  	[dreg:$0x1] =	wrdreg $0xFFFFFFFF  }
0xad: {  	[dreg:$0x0] =	wrdreg $0x60  }
0xae: {  	[dreg:$0x2] =	wrdreg s24  }
0xaf: {  	[dreg:$0x3] =	wrdreg s2  }
0xb0: {  	[dreg:$0x4] =	wrdreg $0x9  }
0xb1: {  	_ =	task.clear_ibuf [dreg:s7], $0x5FFFF;
	_ =	strace $0x90000046  }
0xb2: {  	s29 =	simm.s32 $0x9;
	_ =	strace $0x80000048  }
0xb3: {  	_ =	swait.ge [sflag:s29], $0x1  }
0xb4: {  	[sflag:s29] =	ssyncadd.s32 $0xFFFFFFFF  }
0xb5: {  	_ =	strace $0x90000048  }
0xb6: {  	_ =	sfence  }
0xb7: {  	s30 =	sld [smem:$0x0];
	_ =	sdelay $0x2  }
0xb8: {  	s31 =	sshll.u32 s1, $0xD;
	s1 =	sshrl.u32 s1, $0x2  }
0xb9: {  	s3 =	sand.u32 $0x4000, s31;
	s1 =	sadd.s32 s1, s30  }
0xba: {  	s0 =	sor.u32 s3, s0;
	s1 =	sshll.u32 s1, $0x11  }
0xbb: {  	s0 =	sor.u32 s1, s0  }
0xbc: {  	s0 =	sadd.s32 $0x8F2B, s0  }
0xbd: {  	[sflag:s0] =	ssyncadd.remote.s32 $0x1  }
0xbe: {  	_ =	sfence.sel $0xFFFF  }
0xbf: {  	[dreg:$0x0] =	wrdreg $0xFFFFFFFF;
	(pc) =	sbr.abs _section_cstart, $3  }
0xc0: {  	[dreg:$0x1] =	wrdreg $0xFFFFFFFF  }
0xc1: {  	_ =	task.clear_ibuf [dreg:s7], $0x2FFFF;
	_ =	strace $0x9FFFFFFF  }
0xc2: {  	(tm) =	ssettm $0x7FFFFFFF  }
0xc3: {  	_ =	shalt  }
tec
execute0_lowered:
.L_overlay_start_1:
0x0: {  	(tag) =	ssettag $0x1  }
0x1: {  	s0 =	srdreg.scid;
	s15 =	stileid.u32  }
0x2: {  	s2 =	rddreg [dreg:$0x0];
	s3 =	simm.s32 $0x0;
	s21 =	simm.s32 $0x1  }
0x3: {  	s22 =	simm.s32 $0x3680;
	s23 =	simm.s32 $0x3B00;
	s24 =	simm.s32 $0x3F80  }
0x4: {  	s0 =	sand.u32 $0x1, s0;
	s1 =	sshll.u32 s15, $0x1;
	s20 =	smul.u32 $0x880, s15  }
0x5: {  	s1 =	sor.u32 s0, s1;
	s4 =	ssub.s32 $0x2, s0;
	s0 =	smul.u32 $0x440, s0  }
0x6: {  	[smem:$0x7FF] =	sst s3;
	s1 =	smul.u32 $0x440, s1;
	s5 =	sshrl.u32 s4, $0x1  }
0x7: {  	s25 =	simm.s32 $0x0;
	_ =	strace $0x80000047;
	s31 =	ssub.s32 s4, s5  }
0x8: {  	s30 =	sadd.s32 s0, s20;
	s0 =	simm.s32 $0x2D80;
	s1 =	sshrl.u32 s1, $0x3  }
0x9: {  	s19 =	smax.u32 s31, $0x1;
	s1 =	sadd.s32 s1, s2;
	s2 =	simm.s32 $0x3200  }
0xa: {  	s4 =	sadd.s32 $0x4C00, s1;
	s5 =	sadd.s32 $0x400, s1;
	s6 =	sadd.s32 $0x1600, s1  }
0xb: {  	v0 =	vlaneseq.u32;
	s7 =	sadd.s32 $0x2800, s1;
	s8 =	sadd.s32 $0x3A00, s1;
	s9 =	sadd.s32 $0x8200, s1  }
0xc: {  	v0 =	vmul.u32 $0xFFFFFFFF, v0;
	s10 =	sadd.s32 $0x9400, s1;
	s11 =	sadd.s32 $0x5E00, s1;
	s12 =	sadd.s32 $0x7000, s1  }
0xd: {  	s13 =	sadd.s32 $0xA600, s1;
	s14 =	sadd.s32 $0xB700, s1;
	s15 =	sadd.s32 $0xC800, s1  }
0xe: {  	v0 =	vadd.s32 $0x8598, v0;
	s16 =	sadd.s32 $0xD900, s1;
	s17 =	sadd.s32 $0xEA00, s1;
	s18 =	sadd.s32 $0xFB00, s1  }
.LBB2_1:
0xf: {  	[tilespmem:s3], [sflag:$0x1] =	stream.linear.gather [hbm4b:s4+s3], $0x440, $0x38;
	[tilespmem:$0x4400] =	vst v63  }
0x10: {  	_ =	swait.ge [sflag:s21], $0x440  }
0x11: {  	[sflag:s21] =	ssyncset.done $0x0  }
0x12: {  	s1 =	simm.s32 $0x480;
	[sflag:s21] =	ssyncadd.s32 $0xFFFFFBC0  }
0x13: {  	[tilespmem:s1], [sflag:$0x1] =	stream.linear.gather [hbm4b:s5+s3], $0x440, $0x38;
	[tilespmem:$0x4400] =	vst v63  }
0x14: {  	_ =	swait.ge [sflag:s21], $0x440  }
0x15: {  	[sflag:s21] =	ssyncset.done $0x0  }
0x16: {  	s20 =	simm.s32 $0x900;
	[sflag:s21] =	ssyncadd.s32 $0xFFFFFBC0  }
0x17: {  	[tilespmem:s20], [sflag:$0x1] =	stream.linear.gather [hbm4b:s6+s3], $0x440, $0x38;
	[tilespmem:$0x4400] =	vst v63  }
0x18: {  	_ =	swait.ge [sflag:s21], $0x440  }
0x19: {  	[sflag:s21] =	ssyncset.done $0x0  }
0x1a: {  	s26 =	simm.s32 $0xD80;
	[sflag:s21] =	ssyncadd.s32 $0xFFFFFBC0  }
0x1b: {  	[tilespmem:s26], [sflag:$0x1] =	stream.linear.gather [hbm4b:s7+s3], $0x440, $0x38;
	[tilespmem:$0x4400] =	vst v63  }
0x1c: {  	_ =	swait.ge [sflag:s21], $0x440  }
0x1d: {  	[sflag:s21] =	ssyncset.done $0x0  }
0x1e: {  	s20 =	simm.s32 $0x1200;
	[sflag:s21] =	ssyncadd.s32 $0xFFFFFBC0  }
0x1f: {  	[tilespmem:s20], [sflag:$0x1] =	stream.linear.gather [hbm4b:s8+s3], $0x440, $0x38;
	[tilespmem:$0x4400] =	vst v63  }
0x20: {  	_ =	swait.ge [sflag:s21], $0x440  }
0x21: {  	[sflag:s21] =	ssyncset.done $0x0  }
0x22: {  	s26 =	simm.s32 $0x1680;
	[sflag:s21] =	ssyncadd.s32 $0xFFFFFBC0  }
0x23: {  	[tilespmem:s26], [sflag:$0x1] =	stream.linear.gather [hbm4b:s9+s3], $0x440, $0x38;
	[tilespmem:$0x4400] =	vst v63  }
0x24: {  	_ =	swait.ge [sflag:s21], $0x440  }
0x25: {  	[sflag:s21] =	ssyncset.done $0x0  }
0x26: {  	s20 =	simm.s32 $0x1B00;
	[sflag:s21] =	ssyncadd.s32 $0xFFFFFBC0  }
0x27: {  	[tilespmem:s20], [sflag:$0x1] =	stream.linear.gather [hbm4b:s10+s3], $0x440, $0x38;
	[tilespmem:$0x4400] =	vst v63  }
0x28: {  	_ =	swait.ge [sflag:s21], $0x440  }
0x29: {  	[sflag:s21] =	ssyncset.done $0x0  }
0x2a: {  	s26 =	simm.s32 $0x1F80;
	[sflag:s21] =	ssyncadd.s32 $0xFFFFFBC0  }
0x2b: {  	[tilespmem:s26], [sflag:$0x1] =	stream.linear.gather [hbm4b:s11+s3], $0x440, $0x38;
	[tilespmem:$0x4400] =	vst v63  }
0x2c: {  	_ =	swait.ge [sflag:s21], $0x440  }
0x2d: {  	[sflag:s21] =	ssyncset.done $0x0  }
0x2e: {  	s20 =	simm.s32 $0x2400;
	[sflag:s21] =	ssyncadd.s32 $0xFFFFFBC0  }
0x2f: {  	[tilespmem:s20], [sflag:$0x1] =	stream.linear.gather [hbm4b:s12+s3], $0x440, $0x38;
	[tilespmem:$0x4400] =	vst v63  }
0x30: {  	_ =	swait.ge [sflag:s21], $0x440  }
0x31: {  	[sflag:s21] =	ssyncset.done $0x0  }
0x32: {  	[sflag:s21] =	ssyncadd.s32 $0xFFFFFBC0  }
0x33: {  	s20 =	simm.s32 $0x2880;
	s26 =	rddreg [dreg:$0x1]  }
0x34: {  	[tilespmem:s20], [sflag:$0x1] =	stream.linear.gather [hbm4b:s26+s3], $0x80, $0x38;
	[tilespmem:$0x4400] =	vst v63  }
0x35: {  	_ =	swait.ge [sflag:s21], $0x80  }
0x36: {  	[sflag:s21] =	ssyncset.done $0x0  }
0x37: {  	s28 =	simm.s32 $0x0;
	[sflag:s21] =	ssyncadd.s32 $0xFFFFFF80  }
0x38: {  	v1 =	vld [tilespmem:s28+$0xD80]  }
0x39: {  	v2 =	vld [tilespmem:s28+$0x1200]  }
0x3a: {  	v3 =	vld [tilespmem:s28+$0x1680]  }
0x3b: {  	v6 =	vld [tilespmem:s28+$0x1B00]  }
0x3c: {  	v4 =	vld [tilespmem:s28+$0x1F80]  }
0x3d: {  	v5 =	vld [tilespmem:s28+$0x2400];
	v1 =	vmul.f32 $1.442695020e+00, v1;
	_ =	sdelay $0x1  }
0x3e: {  	v2 =	vmul.f32 $1.442695020e+00, v2;
	(erf) = vpow2.f32 v1;
	_ =	sdelay $0x1  }
0x3f: {  	(erf) = vpow2.f32 v2  }
0x40: {  	v1 =	vsub.f32 v4, v3;
	v4 =	vsub.f32 v5, v6;
	_ =	sdelay $0x1  }
0x41: {  	v8 =	vld [tilespmem:s28+$0x480];
	v11 =	vadd.f32 $1.000000000e+00, v4  }
0x42: {  	v10 =	vld [tilespmem:s28+$0x900];
	v9 =	vadd.f32 $1.000000000e+00, v1  }
0x43: {  	v13 =	vmul.f32 $5.000000000e-01, v11  }
0x44: {  	s26 =	simm.s32 $0x10;
	v7 =	vld [tilespmem:$0x2880];
	v12 =	vmul.f32 $5.000000000e-01, v9  }
0x45: {  	v15 =	vld [tilespmem:s26+$0xD80];
	v14 =	vpop (erf)  }
0x46: {  	v2 =	vld [tilespmem:$0x2890];
	v8 =	vmul.f32 v9, v8;
	v3 =	vadd.f32 v12, v3;
	v9 =	vmul.f32 v14, v9  }
0x47: {  	v16 =	vld [tilespmem:s26+$0x1200];
	v10 =	vmul.f32 v11, v10;
	v6 =	vadd.f32 v13, v6;
	v13 =	vpop (erf)  }
0x48: {  	v5 =	vld [tilespmem:s26+$0x1B00];
	v11 =	vmul.f32 v13, v11;
	v13 =	vadd.f32 v3, v8;
	v9 =	vmul.f32 $5.000000000e-01, v9  }
0x49: {  	v4 =	vld [tilespmem:s26+$0x1680]  }
0x4a: {  	v12 =	vld [tilespmem:s26+$0x1F80];
	v3 =	vsub.f32 v13, v9  }
0x4b: {  	v2 =	vadd.f32 $-1.000000000e+00, v2;
	v6 =	vadd.f32 v6, v10;
	v14 =	vld [tilespmem:s26+$0x2400]  }
0x4c: {  	v8 =	vmul.f32 $1.442695020e+00, v15;
	v10 =	vmul.f32 $5.000000000e-01, v11;
	v15 =	vmax.f32 v3, $0.0e+00  }
0x4d: {  	v3 =	vadd.f32 $-1.000000000e+00, v7;
	v7 =	vmin.f32 v2, v15;
	v15 =	vmul.f32 $1.442695020e+00, v16  }
0x4e: {  	v17 =	vld [tilespmem:s28+$0x0];
	(erf) = vpow2.f32 v8;
	v13 =	vadd.f32 v9, v13;
	v11 =	vsub.f32 v6, v10  }
0x4f: {  	v18 =	vld [tilespmem:s26+$0x480];
	v6 =	vadd.f32 v10, v6;
	v10 =	vsub.f32 v12, v4;
	(erf) = vpow2.f32 v15  }
0x50: {  	v21 =	vld [tilespmem:s26+$0x900];
	v12 =	vsub.f32 v14, v5;
	v9 =	vmax.f32 v11, $0.0e+00  }
0x51: {  	s29 =	simm.s32 $0x20;
	v1 =	vld [tilespmem:$0x28A0];
	v11 =	vmax.f32 v13, $0.0e+00;
	v6 =	vmax.f32 v6, $0.0e+00;
	v10 =	vadd.f32 $1.000000000e+00, v10  }
0x52: {  	v8 =	vld [tilespmem:s29+$0x1680];
	[tilespmem:s28+$0x2900] =	vst v7;
	v14 =	vmin.f32 v3, v9;
	v13 =	vmin.f32 v2, v11;
	v16 =	vmin.f32 v3, v6  }
0x53: {  	v6 =	vmov s30;
	v9 =	vld [tilespmem:s29+$0x1B00];
	[tilespmem:s28+$0x2D80] =	vst v14;
	v7 =	vsub.f32 v13, v7;
	v19 =	vsub.f32 v16, v14  }
0x54: {  	vm0 =	vlt.u32 v6, v0;
	v11 =	vld [tilespmem:s29+$0x1F80];
	[tilespmem:s28+$0x3200] =	vst v13;
	v13 =	vadd.f32 $1.000000000e+00, v12  }
0x55: {  	v14 =	vmul.f32 v10, v18;
	v15 =	vld [tilespmem:s29+$0xD80];
	v6 =	vadd.f32 $1.000000000e+00, v7;
	v7 =	vadd.f32 $1.000000000e+00, v19;
	[tilespmem:s28+$0x3680] =	vst v16  }
0x56: {  	v19 =	vmul.f32 $5.000000000e-01, v10;
	v16 =	vadd.s32 $0x80000001, v17;
	v12 =	vld [tilespmem:s29+$0x2400];
	v20 =	vmul.f32 $5.000000000e-01, v13  }
0x57: {  	s31 =	simm.s32 $0xC0;
	s20 =	smov.u32 s30;
	v17 =	vld [tilespmem:s29+$0x1200];
	v18 =	vmul.f32 v13, v21;
	v21 =	vpop (erf);
	vm1 =	vge.f32 v6, v1;
	vm2 =	vge.f32 v7, v1  }
.LBB2_2:
0x58: {  	p0 =	sne.s32 s31, $0x10C0;
	v19 =	vadd.f32 v19, v4;
	v20 =	vadd.f32 v20, v5;
	v4 =	vpop (erf);
	vm1 =	vmand vm1, vm2  }
0x59: {  	v10 =	vmul.f32 v21, v10;
	v5 =	vmovc v9;
	v13 =	vmul.f32 v4, v13;
	vm0 =	vmand vm0, vm1;
	v4 =	vmovc v8  }
0x5a: {  	v8 =	vmul.f32 $1.442695020e+00, v15;
	v9 =	vadd.f32 v19, v14;
	v14 =	vnsel vm0, $0x80000000, v16  }
0x5b: {  	v15 =	vadd.f32 v20, v18;
	v10 =	vmul.f32 $5.000000000e-01, v10;
	v13 =	vmul.f32 $5.000000000e-01, v13;
	[tilespmem:s28+$0x3F80] =	vst v14  }
0x5c: {  	v11 =	vsub.f32 v11, v4;
	v12 =	vsub.f32 v12, v5;
	v14 =	vmul.f32 $1.442695020e+00, v17  }
0x5d: {  	(erf) = vpow2.f32 v8;
	v8 =	vsub.f32 v9, v10;
	v16 =	vsub.f32 v15, v13  }
0x5e: {  	v9 =	vadd.f32 v10, v9;
	v13 =	vadd.f32 v13, v15;
	(erf) = vpow2.f32 v14;
	v17 =	vld [tilespmem:s26+$0x0]  }
0x5f: {  	v10 =	vadd.f32 $1.000000000e+00, v11;
	v14 =	vld [tilespmem:s29+$0x480];
	v8 =	vmax.f32 v8, $0.0e+00;
	v11 =	vmax.f32 v16, $0.0e+00  }
0x60: {  	s1 =	sshra.s32 s31, $0x2;
	v9 =	vmax.f32 v9, $0.0e+00;
	v13 =	vmax.f32 v13, $0.0e+00;
	v18 =	vld [tilespmem:s29+$0x900];
	v15 =	vmin.f32 v2, v8  }
0x61: {  	s20 =	sadd.s32 $0x10, s20;
	v11 =	vmin.f32 v3, v11;
	v16 =	vmin.f32 v2, v9;
	v19 =	vmin.f32 v3, v13;
	v8 =	vld [tilespmem:s1+$0x1680];
	[tilespmem:s26+$0x2900] =	vst v15  }
.Ltmp0:
0x62: {  	v20 =	vmov s20;
	v21 =	vsub.f32 v16, v15;
	v22 =	vsub.f32 v19, v11;
	v9 =	vld [tilespmem:s1+$0x1B00];
	[tilespmem:s26+$0x2D80] =	vst v11;
	(pc) =	sbr.rel @p0 .LBB2_2-.Ltmp0, $4  }
0x63: {  	v23 =	vmul.f32 v7, v6;
	vm0 =	vlt.u32 v20, v0;
	v13 =	vadd.f32 $1.000000000e+00, v12;
	v11 =	vld [tilespmem:s1+$0x1F80];
	[tilespmem:s26+$0x3200] =	vst v16  }
0x64: {  	v6 =	vadd.f32 $1.000000000e+00, v21;
	v7 =	vadd.f32 $1.000000000e+00, v22;
	v15 =	vld [tilespmem:s1+$0xD80];
	v14 =	vmul.f32 v10, v14;
	[tilespmem:s26+$0x3680] =	vst v19  }
0x65: {  	v20 =	vmul.f32 $5.000000000e-01, v13;
	v16 =	vadd.s32 $0x80000001, v17;
	v19 =	vmul.f32 $5.000000000e-01, v10;
	v12 =	vld [tilespmem:s1+$0x2400];
	[tilespmem:s28+$0x3B00] =	vst v23;
	s28 =	smov.u32 s26;
	s26 =	smov.u32 s29;
	s29 =	smov.u32 s1  }
0x66: {  	s31 =	sadd.s32 $0x40, s31;
	v18 =	vmul.f32 v13, v18;
	vm1 =	vge.f32 v6, v1;
	vm2 =	vge.f32 v7, v1;
	v17 =	vld [tilespmem:s29+$0x1200];
	v21 =	vpop (erf)  }
0x67: {  	_ = 	snop  }
0x68: {  	v4 =	vadd.f32 v19, v4;
	v5 =	vadd.f32 v20, v5;
	v32 =	vpop (erf)  }
0x69: {  	v10 =	vmul.f32 v21, v10;
	vm1 =	vmand vm1, vm2;
	v13 =	vmul.f32 v32, v13  }
0x6a: {  	vm0 =	vmand vm0, vm1;
	v11 =	vsub.f32 v11, v8;
	v15 =	vmul.f32 $1.442695020e+00, v15  }
0x6b: {  	v4 =	vadd.f32 v4, v14;
	v5 =	vadd.f32 v5, v18;
	v33 =	vmul.f32 $1.442695020e+00, v17  }
0x6c: {  	v10 =	vmul.f32 $5.000000000e-01, v10;
	v34 =	vnsel vm0, $0x80000000, v16;
	(erf) = vpow2.f32 v15  }
0x6d: {  	v13 =	vmul.f32 $5.000000000e-01, v13;
	v12 =	vsub.f32 v12, v9;
	(erf) = vpow2.f32 v33  }
0x6e: {  	s1 =	sadd.s32 $0x10, s20;
	v6 =	vmul.f32 v7, v6;
	[tilespmem:s28+$0x3F80] =	vst v34;
	v37 =	vadd.f32 $1.000000000e+00, v11;
	v35 =	vsub.f32 v4, v10  }
0x6f: {  	v41 =	vmov s1;
	v4 =	vadd.f32 v10, v4;
	v38 =	vld [tilespmem:s29+$0x480];
	v36 =	vsub.f32 v5, v13  }
0x70: {  	vm10 =	vlt.u32 v41, v0;
	v40 =	vld [tilespmem:s29+$0x900];
	v5 =	vadd.f32 v13, v5;
	v12 =	vadd.f32 $1.000000000e+00, v12  }
0x71: {  	v45 =	vld [tilespmem:s26+$0x0];
	v44 =	vmul.f32 $5.000000000e-01, v37;
	v39 =	vmax.f32 v35, $0.0e+00;
	v4 =	vmax.f32 v4, $0.0e+00  }
0x72: {  	v14 =	vmax.f32 v36, $0.0e+00;
	v13 =	vmin.f32 v2, v39;
	v5 =	vmax.f32 v5, $0.0e+00  }
0x73: {  	v4 =	vmin.f32 v2, v4;
	v46 =	vmul.f32 $5.000000000e-01, v12;
	v48 =	vadd.f32 v44, v8  }
0x74: {  	v14 =	vmin.f32 v3, v14;
	v5 =	vmin.f32 v3, v5;
	v42 =	vsub.f32 v4, v13  }
0x75: {  	v43 =	vsub.f32 v5, v14;
	v11 =	vmul.f32 v37, v38;
	v15 =	vmul.f32 v12, v40;
	v47 =	vpop (erf)  }
0x76: {  	v50 =	vadd.f32 v46, v9;
	v53 =	vadd.s32 $0x80000001, v45;
	v10 =	vmul.f32 v47, v37;
	v49 =	vpop (erf)  }
0x77: {  	v17 =	vadd.f32 $1.000000000e+00, v42;
	v51 =	vadd.f32 $1.000000000e+00, v43;
	v12 =	vmul.f32 v49, v12  }
0x78: {  	v8 =	vadd.f32 v48, v11;
	v9 =	vadd.f32 v50, v15;
	v10 =	vmul.f32 $5.000000000e-01, v10  }
0x79: {  	vm11 =	vge.f32 v17, v1;
	vm12 =	vge.f32 v51, v1;
	v52 =	vmul.f32 $5.000000000e-01, v12  }
0x7a: {  	[tilespmem:s26+$0x2900] =	vst v13;
	vm1 =	vmand vm11, vm12;
	v54 =	vsub.f32 v8, v10;
	v8 =	vadd.f32 v10, v8  }
0x7b: {  	[tilespmem:s26+$0x3200] =	vst v4;
	vm0 =	vmand vm10, vm1;
	v15 =	vsub.f32 v9, v52;
	v9 =	vadd.f32 v52, v9  }
0x7c: {  	[tilespmem:s26+$0x2D80] =	vst v14;
	v55 =	vnsel vm0, $0x80000000, v53;
	v56 =	vmax.f32 v54, $0.0e+00;
	v8 =	vmax.f32 v8, $0.0e+00  }
0x7d: {  	[tilespmem:s26+$0x3680] =	vst v5;
	v58 =	vmin.f32 v2, v56;
	v57 =	vmax.f32 v15, $0.0e+00;
	v9 =	vmax.f32 v9, $0.0e+00  }
0x7e: {  	[tilespmem:s28+$0x3B00] =	vst v6;
	v2 =	vmin.f32 v2, v8;
	v59 =	vmin.f32 v3, v57;
	v3 =	vmin.f32 v3, v9  }
0x7f: {  	[tilespmem:s26+$0x3F80] =	vst v55;
	v60 =	vsub.f32 v2, v58;
	v61 =	vsub.f32 v3, v59  }
0x80: {  	v62 =	vld [tilespmem:s29+$0x0]  }
0x81: {  	v4 =	vadd.f32 $1.000000000e+00, v60;
	v8 =	vadd.f32 $1.000000000e+00, v61  }
0x82: {  	s1 =	sadd.s32 $0x10, s1;
	[tilespmem:s29+$0x2900] =	vst v58  }
0x83: {  	v63 =	vmov s1;
	[tilespmem:s29+$0x3200] =	vst v2;
	vm13 =	vge.f32 v4, v1;
	vm14 =	vge.f32 v8, v1  }
0x84: {  	vm15 =	vlt.u32 v63, v0;
	[tilespmem:s29+$0x2D80] =	vst v59;
	v1 =	vmul.f32 v51, v17;
	vm0 =	vmand vm13, vm14  }
0x85: {  	v2 =	vadd.s32 $0x80000001, v62;
	[tilespmem:s29+$0x3680] =	vst v3;
	vm0 =	vmand vm15, vm0  }
0x86: {  	[tilespmem:s26+$0x3B00] =	vst v1;
	v1 =	vnsel vm0, $0x80000000, v2;
	v2 =	vmul.f32 v8, v4  }
0x87: {  	[tilespmem:s29+$0x3F80] =	vst v1  }
0x88: {  	s31 =	simm.s32 $0x2900;
	[tilespmem:s29+$0x3B00] =	vst v2  }
0x89: {  	[hbm4b:s13+s3] =	stream.linear.scatter [tilespmem:s31], [sflag:$0x1], $0x440, $0x38;
	[tilespmem:$0x4400] =	vst v63  }
0x8a: {  	_ =	swait.ge [sflag:s21], $0x440  }
0x8b: {  	[sflag:s21] =	ssyncset.done $0x0  }
0x8c: {  	[sflag:s21] =	ssyncadd.s32 $0xFFFFFBC0  }
0x8d: {  	[hbm4b:s14+s3] =	stream.linear.scatter [tilespmem:s0], [sflag:$0x1], $0x440, $0x38;
	[tilespmem:$0x4400] =	vst v63  }
0x8e: {  	_ =	swait.ge [sflag:s21], $0x440  }
0x8f: {  	[sflag:s21] =	ssyncset.done $0x0  }
0x90: {  	[sflag:s21] =	ssyncadd.s32 $0xFFFFFBC0  }
0x91: {  	[hbm4b:s15+s3] =	stream.linear.scatter [tilespmem:s2], [sflag:$0x1], $0x440, $0x38;
	[tilespmem:$0x4400] =	vst v63  }
0x92: {  	_ =	swait.ge [sflag:s21], $0x440  }
0x93: {  	[sflag:s21] =	ssyncset.done $0x0  }
0x94: {  	[sflag:s21] =	ssyncadd.s32 $0xFFFFFBC0  }
0x95: {  	[hbm4b:s16+s3] =	stream.linear.scatter [tilespmem:s22], [sflag:$0x1], $0x440, $0x38;
	[tilespmem:$0x4400] =	vst v63  }
0x96: {  	_ =	swait.ge [sflag:s21], $0x440  }
0x97: {  	[sflag:s21] =	ssyncset.done $0x0  }
0x98: {  	[sflag:s21] =	ssyncadd.s32 $0xFFFFFBC0  }
0x99: {  	[hbm4b:s17+s3] =	stream.linear.scatter [tilespmem:s23], [sflag:$0x1], $0x440, $0x38;
	[tilespmem:$0x4400] =	vst v63  }
0x9a: {  	s25 =	sadd.s32 $0x1, s25;
	_ =	swait.ge [sflag:s21], $0x440  }
0x9b: {  	p0 =	sne.s32 s25, s19;
	[sflag:s21] =	ssyncset.done $0x0  }
.Ltmp1:
0x9c: {  	[sflag:s21] =	ssyncadd.s32 $0xFFFFFBC0;
	(pc) =	sbr.rel @p0 .LBB2_1-.Ltmp1, $4  }
0x9d: {  	[hbm4b:s18+s3] =	stream.linear.scatter [tilespmem:s24], [sflag:$0x1], $0x440, $0x38;
	[tilespmem:$0x4400] =	vst v63  }
0x9e: {  	_ =	swait.ge [sflag:s21], $0x440  }
0x9f: {  	[sflag:s21] =	ssyncset.done $0x0  }
0xa0: {  	[sflag:s21] =	ssyncadd.s32 $0xFFFFFBC0  }
0xa1: {  	_ =	sfence.sel $0x180000  }
0xa2: {  	[bflag:$0x0] =	sbarrier.arrive $0xFFFF  }
0xa3: {  	_ =	strace $0x90000047  }
0xa4: {  	s0 =	stileid.u32;
	[bflag:$0x2] =	sbarrier.arrive $0xFFFF  }
0xa5: {  	p0 =	sne.s32 s0, $0x0;
	s0 =	rddreg [dreg:$0x2]  }
0xa6: {  	s0 =	sadd.s32 @!p0 $0x100000, s0  }
0xa7: {  	[sflag:s0] =	ssyncadd.tile.s32 @!p0 $0x1;
	_ =	shalt  }
.Lfunc_end2:
_tile_overlayer_lowered:
.L_overlay_start_2:
0xa8: {  	(tag) =	ssettag $0x2  }
0xa9: {  	s0 =	rddreg [dreg:$0x0];
	s2 =	stileid.u32  }
0xaa: {  	s1 =	rddreg [dreg:$0x1];
	p0 =	sne.s32 s2, $0x0  }
0xab: {  	s3 =	rddreg [dreg:$0x2];
	[bflag:$0x3] =	sbarrier.arrive $0xFFFF;
	s2 =	simm.s32 @!p0 $0x1C01  }
0xac: {  	[timem:s3], [sflag:s2] =	dma.local @!p0 [hbm:s0], s1  }
0xad: {  	s0 =	simm.s32 @!p0 $0x1  }
0xae: {  	_ =	swait.ge @!p0 [sflag:s0], s1  }
0xaf: {  	s1 =	ssub.s32 @!p0 $0x0, s1;
	[sflag:s0] =	ssyncset.done @!p0 $0x0  }
0xb0: {  	[sflag:s0] =	ssyncadd.s32 @!p0 s1  }
0xb1: {  	[bflag:$0x3] =	sbarrier.arrive $0xFFFF  }
0xb2: {  	_ =	shalt  }

</sc_bundles>
